<compile_context>
chip_gen: v7x
topology: tpu7x:2x2x1
jax: 0.10.2.dev20260603
libtpu: 0.0.44.dev20260713+nightly
codegen_flags: <defaults>
</compile_context>

<pallas_src>
import functools

import jax
import jax.numpy as jnp
from jax import lax
from jax.experimental import pallas as pl
from jax.experimental.pallas import tpu as pltpu
import jax.experimental.pallas.tpu_sc as plsc

NC = 2
NS = 16
NW = NC * NS
CH = 128
NCH = 80

_MESH = dict(core_axis_name="c", subcore_axis_name="s", num_cores=NC,
             num_subcores=NS)


def _deg_body(rpt, src_hbm, dst_hbm, onesa_hbm, onesb_hbm, zrow_hbm,
              deg_hbm, deg_sh, onesa_v, onesb_v, sidx_v, didx_v):
    c = lax.axis_index("c")
    s = lax.axis_index("s")
    wid = c * NS + s
    pltpu.sync_copy(onesa_hbm, onesa_v)
    pltpu.sync_copy(onesb_hbm, onesb_v)
    pltpu.sync_copy(zrow_hbm, deg_sh.at[pl.ds(s * rpt, rpt)])
    plsc.subcore_barrier()
    base = wid * NCH * CH

    @pl.loop(0, NCH)
    def _(i):
        off = base + i * CH
        pltpu.sync_copy(src_hbm.at[pl.ds(off, CH)], sidx_v)
        pltpu.sync_copy(dst_hbm.at[pl.ds(off, CH)], didx_v)
        pltpu.sync_copy(onesa_v, deg_sh.at[sidx_v], add=True)
        pltpu.sync_copy(onesb_v, deg_sh.at[didx_v], add=True)

    plsc.subcore_barrier()
    pltpu.sync_copy(deg_sh.at[pl.ds(s * rpt, rpt)],
                    deg_hbm.at[c, pl.ds(s * rpt, rpt)])


def _scatter_body(rpt, h_hbm, src_hbm, dst_hbm, zrow_hbm, out_hbm,
                  agg_sh, rows_v, sidx_v, didx_v):
    c = lax.axis_index("c")
    s = lax.axis_index("s")
    wid = c * NS + s
    pltpu.sync_copy(zrow_hbm, agg_sh.at[pl.ds(s * rpt, rpt)])
    plsc.subcore_barrier()
    base = wid * NCH * CH

    @pl.loop(0, NCH)
    def _(i):
        off = base + i * CH
        pltpu.sync_copy(src_hbm.at[pl.ds(off, CH)], sidx_v)
        pltpu.sync_copy(dst_hbm.at[pl.ds(off, CH)], didx_v)
        pltpu.sync_copy(h_hbm.at[sidx_v], rows_v)
        pltpu.sync_copy(rows_v, agg_sh.at[didx_v], add=True)

    plsc.subcore_barrier()
    pltpu.sync_copy(agg_sh.at[pl.ds(s * rpt, rpt)],
                    out_hbm.at[c, pl.ds(s * rpt, rpt)])


def _make_deg(np_, d):
    rpt = np_ // NS
    body = functools.partial(_deg_body, rpt)
    return pl.kernel(
        body,
        out_type=jax.ShapeDtypeStruct((NC, np_, d), jnp.float32),
        mesh=plsc.VectorSubcoreMesh(**_MESH),
        scratch_types=[
            pltpu.VMEM_SHARED((np_, d), jnp.float32),
            pltpu.VMEM((CH, d), jnp.float32),
            pltpu.VMEM((CH, d), jnp.float32),
            pltpu.VMEM((CH,), jnp.int32),
            pltpu.VMEM((CH,), jnp.int32),
        ],
    )


def _make_scatter(np_, d):
    rpt = np_ // NS
    body = functools.partial(_scatter_body, rpt)
    return pl.kernel(
        body,
        out_type=jax.ShapeDtypeStruct((NC, np_, d), jnp.float32),
        mesh=plsc.VectorSubcoreMesh(**_MESH),
        scratch_types=[
            pltpu.VMEM_SHARED((np_, d), jnp.float32),
            pltpu.VMEM((CH, d), jnp.float32),
            pltpu.VMEM((CH,), jnp.int32),
            pltpu.VMEM((CH,), jnp.int32),
        ],
    )


BR = 1024


def _prep_body(deg_ref, x_ref, soutb_ref, sinb_ref, h0_ref):
    do = deg_ref[0, :, 0:1] + deg_ref[1, :, 0:1]
    di = deg_ref[0, :, 64:65] + deg_ref[1, :, 64:65]
    so = lax.rsqrt(jnp.maximum(do, 1.0))
    si = lax.rsqrt(jnp.maximum(di, 1.0))
    soutb_ref[...] = jnp.broadcast_to(so, soutb_ref.shape)
    sinb_ref[...] = jnp.broadcast_to(si, sinb_ref.shape)
    h0_ref[...] = x_ref[...] * so


def _dense_act_body(p_ref, sinb_ref, soutb_ref, w_ref, b_ref, o_ref):
    agg = (p_ref[0] + p_ref[1]) * sinb_ref[...]
    h = jnp.dot(agg, w_ref[...], preferred_element_type=jnp.float32,
                precision=lax.Precision.HIGHEST) + b_ref[...]
    o_ref[...] = jnp.maximum(h, 0.0) * soutb_ref[...]


def _dense_last_body(p_ref, sinb_ref, w_ref, b_ref, o_ref):
    agg = (p_ref[0] + p_ref[1]) * sinb_ref[...]
    o_ref[...] = jnp.dot(agg, w_ref[...], preferred_element_type=jnp.float32,
                         precision=lax.Precision.HIGHEST) + b_ref[...]


def kernel(x, edge_index, W1, b1, W2, b2, W3, b3):
    n, d = x.shape
    e = edge_index.shape[1]
    np_ = ((n + 2047) // 2048) * 2048
    rpt = np_ // NS
    ep = NW * NCH * CH

    pad_row = n + (jnp.arange(ep - e, dtype=jnp.int32) % (np_ - n))
    eidx = jnp.concatenate(
        [edge_index.astype(jnp.int32),
         jnp.stack([pad_row, pad_row])], axis=1)
    src1 = eidx[0]
    dst1 = eidx[1]
    x_p = jnp.pad(x, ((0, np_ - n), (0, 0)))

    lane = jnp.arange(d, dtype=jnp.int32)
    onesa = jnp.broadcast_to((lane == 0).astype(jnp.float32), (CH, d))
    onesb = jnp.broadcast_to((lane == 64).astype(jnp.float32), (CH, d))
    zrow = jnp.zeros((rpt, d), jnp.float32)

    deg_fn = _make_deg(np_, d)
    scat_fn = _make_scatter(np_, d)

    degp = deg_fn(src1, dst1, onesa, onesb, zrow)

    grid = (np_ // BR,)
    soutb, sinb, h0 = pl.pallas_call(
        _prep_body,
        grid=grid,
        in_specs=[
            pl.BlockSpec((NC, BR, d), lambda i: (0, i, 0)),
            pl.BlockSpec((BR, d), lambda i: (i, 0)),
        ],
        out_specs=[
            pl.BlockSpec((BR, d), lambda i: (i, 0)),
            pl.BlockSpec((BR, d), lambda i: (i, 0)),
            pl.BlockSpec((BR, d), lambda i: (i, 0)),
        ],
        out_shape=[jax.ShapeDtypeStruct((np_, d), jnp.float32)] * 3,
    )(degp, x_p)

    dense_act = pl.pallas_call(
        _dense_act_body,
        grid=grid,
        in_specs=[
            pl.BlockSpec((NC, BR, d), lambda i: (0, i, 0)),
            pl.BlockSpec((BR, d), lambda i: (i, 0)),
            pl.BlockSpec((BR, d), lambda i: (i, 0)),
            pl.BlockSpec((d, d), lambda i: (0, 0)),
            pl.BlockSpec((1, d), lambda i: (0, 0)),
        ],
        out_specs=pl.BlockSpec((BR, d), lambda i: (i, 0)),
        out_shape=jax.ShapeDtypeStruct((np_, d), jnp.float32),
    )
    dense_last = pl.pallas_call(
        _dense_last_body,
        grid=grid,
        in_specs=[
            pl.BlockSpec((NC, BR, d), lambda i: (0, i, 0)),
            pl.BlockSpec((BR, d), lambda i: (i, 0)),
            pl.BlockSpec((d, d), lambda i: (0, 0)),
            pl.BlockSpec((1, d), lambda i: (0, 0)),
        ],
        out_specs=pl.BlockSpec((BR, d), lambda i: (i, 0)),
        out_shape=jax.ShapeDtypeStruct((np_, d), jnp.float32),
    )

    b1r = b1.reshape(1, d)
    b2r = b2.reshape(1, d)
    b3r = b3.reshape(1, d)

    p = scat_fn(h0, src1, dst1, zrow)
    h1 = dense_act(p, sinb, soutb, W1, b1r)
    p = scat_fn(h1, src1, dst1, zrow)
    h2 = dense_act(p, sinb, soutb, W2, b2r)
    p = scat_fn(h2, src1, dst1, zrow)
    h3 = dense_last(p, sinb, W3, b3r)
    return h3[:n]

# --- scband reference (transcript-rebuilt; emitter-appended) ---
"""Pipeline reference for scband-gcn-62216896250206 (READ-ONLY COPY).

The authoritative reference and input builder live on the scoring server;
editing this copy changes nothing except your own understanding.
"""

import jax, jax.numpy as jnp
import numpy as np

N = 10000
E = 320000
D = 128


def setup_inputs(seed: int = 0) -> dict:
    key = jax.random.key(seed)
    ks = jax.random.split(key, 9)
    x = jax.random.normal(ks[0], (N, D), dtype=jnp.float32)
    edge_index = jax.random.randint(ks[1], (2, E), 0, N, dtype=jnp.int32)
    # 3 GraphConv layers: in->hidden (relu), hidden->hidden (relu), hidden->out (no act)
    s1 = 1.0 / np.sqrt(D)
    W1 = jax.random.uniform(ks[2], (D, D), jnp.float32, -s1, s1)
    b1 = jnp.zeros((D,), jnp.float32)
    W2 = jax.random.uniform(ks[3], (D, D), jnp.float32, -s1, s1)
    b2 = jnp.zeros((D,), jnp.float32)
    W3 = jax.random.uniform(ks[4], (D, D), jnp.float32, -s1, s1)
    b3 = jnp.zeros((D,), jnp.float32)
    return {"x": x, "edge_index": edge_index, "W1": W1, "b1": b1, "W2": W2, "b2": b2, "W3": W3, "b3": b3}


def _gcn_layer(h, src, dst, W, b, act):
    # DGL GraphConv, norm='both': h <- D_in^{-1/2} A D_out^{-1/2} h W + b
    ones = jnp.ones((src.shape[0],), jnp.float32)
    deg_out = jnp.maximum(jnp.zeros((N,), jnp.float32).at[src].add(ones), 1.0)
    deg_in = jnp.maximum(jnp.zeros((N,), jnp.float32).at[dst].add(ones), 1.0)
    h = h * (deg_out ** -0.5)[:, None]
    # in_feats == out_feats -> aggregate first, then matmul (DGL branch)
    agg = jnp.zeros((N, h.shape[1]), h.dtype).at[dst].add(h[src])
    agg = agg * (deg_in ** -0.5)[:, None]
    out = agg @ W + b
    if act:
        out = jax.nn.relu(out)
    return out


def reference(x, edge_index, W1, b1, W2, b2, W3, b3):
    src = edge_index[0]
    dst = edge_index[1]
    h = _gcn_layer(x, src, dst, W1, b1, True)
    h = _gcn_layer(h, src, dst, W2, b2, True)
    h = _gcn_layer(h, src, dst, W3, b3, False)
    return h

if __name__ == "__main__":
    import jax
    _d = setup_inputs()
    print(jax.jit(kernel)(*tuple(_d.values())))

</pallas_src>

<mosaic_0001>
#map = affine_map<(d0, d1) -> (0, 0)>
#map1 = affine_map<(d0, d1) -> (0)>
#map2 = affine_map<(d0, d1) -> (0, 0, 0)>
module attributes {stable_mosaic.version = 14 : i64} {
  func.func @_scatter_body(%arg0: i32, %arg1: i32, %arg2: memref<10240x128xf32, #tpu.memory_space<hbm>>, %arg3: memref<327680xi32, #tpu.memory_space<hbm>>, %arg4: memref<327680xi32, #tpu.memory_space<hbm>>, %arg5: memref<640x128xf32, #tpu.memory_space<hbm>>, %arg6: memref<2x10240x128xf32, #tpu.memory_space<hbm>>, %arg7: memref<10240x128xf32, #tpu.memory_space<vmem_shared>>, %arg8: memref<128x128xf32, #tpu.memory_space<vmem>>, %arg9: memref<128xi32, #tpu.memory_space<vmem>>, %arg10: memref<128xi32, #tpu.memory_space<vmem>>) attributes {dimension_semantics = [#tpu.dimension_semantics<core_parallel>, #tpu.dimension_semantics<subcore_parallel>], iteration_bounds = array<i64: 2, 16>, scalar_prefetch = 0 : i64, scratch_operands = 4 : i64, tpu.core_type = #tpu.core_type<sc_vector_subcore>, window_params = [{transform_indices = #map}, {transform_indices = #map1}, {transform_indices = #map1}, {transform_indices = #map}, {transform_indices = #map2}]} {
    %mul3A = arith.constant 16 : i32
    %mul3A_0 = arith.muli %arg0, %mul3A : i32
    %add3A = arith.addi %mul3A_0, %arg1 : i32
    %mul3A_1 = arith.constant 640 : i32
    %mul3A_2 = arith.muli %arg1, %mul3A_1 : i32
    "tpu.region"() ({
      %run_scoped3A = tpu.sem_alloc : memref<!tpu.dma_semaphore, #tpu.memory_space<semaphore_mem>>
      %dma_start3A = arith.constant 0 : i32
      %dma_start3A_16 = tpu.memref_slice %arg7[%mul3A_2, %dma_start3A] : memref<10240x128xf32, #tpu.memory_space<vmem_shared>> -> memref<640x128xf32, #tpu.memory_space<vmem_shared>>
      tpu.enqueue_dma source(%arg5 : memref<640x128xf32, #tpu.memory_space<hbm>>) target(%dma_start3A_16 : memref<640x128xf32, #tpu.memory_space<vmem_shared>>) target_semaphore(%run_scoped3A : memref<!tpu.dma_semaphore, #tpu.memory_space<semaphore_mem>>)
      %dma_wait3A = arith.constant 0 : i32
      %dma_wait3A_17 = tpu.memref_slice %arg7[%mul3A_2, %dma_wait3A] : memref<10240x128xf32, #tpu.memory_space<vmem_shared>> -> memref<640x128xf32, #tpu.memory_space<vmem_shared>>
      tpu.wait_dma2 semaphore(%run_scoped3A : memref<!tpu.dma_semaphore, #tpu.memory_space<semaphore_mem>>) src(%arg5 : memref<640x128xf32, #tpu.memory_space<hbm>>) dst(%dma_wait3A_17 : memref<640x128xf32, #tpu.memory_space<vmem_shared>>)
      tpu.yield
    }) : () -> ()
    %barrier3A = arith.constant 0 : index
    tpu.barrier barrier_id(%barrier3A)
    %mul3A_3 = arith.constant 80 : i32
    %mul3A_4 = arith.muli %add3A, %mul3A_3 : i32
    %mul3A_5 = arith.constant 128 : i32
    %mul3A_6 = arith.muli %mul3A_4, %mul3A_5 : i32
    %scan3A = arith.constant 0 : i32
    %scan3A_7 = arith.constant 80 : i32
    %scan3A_8 = arith.addi %scan3A, %scan3A_7 : i32
    %scan3A_9 = arith.constant 1 : i32
    scf.for %scan3A_16 = %scan3A to %scan3A_8 step %scan3A_9  : i32 {
      %mul3A_17 = arith.constant 1 : i32
      %mul3A_18 = arith.muli %scan3A_16, %mul3A_17 : i32
      %add3A_19 = arith.constant 0 : i32
      %add3A_20 = arith.addi %add3A_19, %mul3A_18 : i32
      %mul3A_21 = arith.constant 128 : i32
      %mul3A_22 = arith.muli %add3A_20, %mul3A_21 : i32
      %add3A_23 = arith.addi %mul3A_6, %mul3A_22 : i32
      "tpu.region"() ({
        %run_scoped3A = tpu.sem_alloc : memref<!tpu.dma_semaphore, #tpu.memory_space<semaphore_mem>>
        %dma_start3A = tpu.memref_slice %arg3[%add3A_23] : memref<327680xi32, #tpu.memory_space<hbm>> -> memref<128xi32, #tpu.memory_space<hbm>>
        %dma_start3A_24 = tpu.memref_slice %arg3[%add3A_23] : memref<327680xi32, #tpu.memory_space<hbm>> -> memref<128xi32, #tpu.memory_space<hbm>>
        tpu.enqueue_dma source(%dma_start3A_24 : memref<128xi32, #tpu.memory_space<hbm>>) target(%arg9 : memref<128xi32, #tpu.memory_space<vmem>>) target_semaphore(%run_scoped3A : memref<!tpu.dma_semaphore, #tpu.memory_space<semaphore_mem>>)
        %dma_wait3A = tpu.memref_slice %arg3[%add3A_23] : memref<327680xi32, #tpu.memory_space<hbm>> -> memref<128xi32, #tpu.memory_space<hbm>>
        %dma_wait3A_25 = tpu.memref_slice %arg3[%add3A_23] : memref<327680xi32, #tpu.memory_space<hbm>> -> memref<128xi32, #tpu.memory_space<hbm>>
        tpu.wait_dma2 semaphore(%run_scoped3A : memref<!tpu.dma_semaphore, #tpu.memory_space<semaphore_mem>>) src(%dma_wait3A_25 : memref<128xi32, #tpu.memory_space<hbm>>) dst(%arg9 : memref<128xi32, #tpu.memory_space<vmem>>)
        tpu.yield
      }) : () -> ()
      "tpu.region"() ({
        %run_scoped3A = tpu.sem_alloc : memref<!tpu.dma_semaphore, #tpu.memory_space<semaphore_mem>>
        %dma_start3A = tpu.memref_slice %arg4[%add3A_23] : memref<327680xi32, #tpu.memory_space<hbm>> -> memref<128xi32, #tpu.memory_space<hbm>>
        %dma_start3A_24 = tpu.memref_slice %arg4[%add3A_23] : memref<327680xi32, #tpu.memory_space<hbm>> -> memref<128xi32, #tpu.memory_space<hbm>>
        tpu.enqueue_dma source(%dma_start3A_24 : memref<128xi32, #tpu.memory_space<hbm>>) target(%arg10 : memref<128xi32, #tpu.memory_space<vmem>>) target_semaphore(%run_scoped3A : memref<!tpu.dma_semaphore, #tpu.memory_space<semaphore_mem>>)
        %dma_wait3A = tpu.memref_slice %arg4[%add3A_23] : memref<327680xi32, #tpu.memory_space<hbm>> -> memref<128xi32, #tpu.memory_space<hbm>>
        %dma_wait3A_25 = tpu.memref_slice %arg4[%add3A_23] : memref<327680xi32, #tpu.memory_space<hbm>> -> memref<128xi32, #tpu.memory_space<hbm>>
        tpu.wait_dma2 semaphore(%run_scoped3A : memref<!tpu.dma_semaphore, #tpu.memory_space<semaphore_mem>>) src(%dma_wait3A_25 : memref<128xi32, #tpu.memory_space<hbm>>) dst(%arg10 : memref<128xi32, #tpu.memory_space<vmem>>)
        tpu.yield
      }) : () -> ()
      "tpu.region"() ({
        %run_scoped3A = tpu.sem_alloc : memref<!tpu.dma_semaphore, #tpu.memory_space<semaphore_mem>>
        %dma_start3A = arith.constant 0 : i32
        %dma_start3A_24 = arith.constant 0 : i32
        %dma_start3A_25 = tpu.memref_slice %arg2[%dma_start3A, %dma_start3A_24] : memref<10240x128xf32, #tpu.memory_space<hbm>> -> memref<10240x128xf32, #tpu.memory_space<hbm>>
        tpu.enqueue_indirect_dma source(%dma_start3A_25 : memref<10240x128xf32, #tpu.memory_space<hbm>>) target(%arg8 : memref<128x128xf32, #tpu.memory_space<vmem>>) offsets(%arg9 : memref<128xi32, #tpu.memory_space<vmem>>) semaphore(%run_scoped3A : memref<!tpu.dma_semaphore, #tpu.memory_space<semaphore_mem>>)
        %dma_wait3A = arith.constant 0 : i32
        %dma_wait3A_26 = arith.constant 0 : i32
        %dma_wait3A_27 = tpu.memref_slice %arg2[%dma_wait3A, %dma_wait3A_26] : memref<10240x128xf32, #tpu.memory_space<hbm>> -> memref<10240x128xf32, #tpu.memory_space<hbm>>
        tpu.wait_indirect_dma semaphore(%run_scoped3A : memref<!tpu.dma_semaphore, #tpu.memory_space<semaphore_mem>>) src(%dma_wait3A_27 : memref<10240x128xf32, #tpu.memory_space<hbm>>) dst(%arg8 : memref<128x128xf32, #tpu.memory_space<vmem>>)
        tpu.yield
      }) : () -> ()
      "tpu.region"() ({
        %run_scoped3A = tpu.sem_alloc : memref<!tpu.dma_semaphore, #tpu.memory_space<semaphore_mem>>
        %dma_start3A = arith.constant 0 : i32
        %dma_start3A_24 = arith.constant 0 : i32
        %dma_start3A_25 = tpu.memref_slice %arg7[%dma_start3A, %dma_start3A_24] : memref<10240x128xf32, #tpu.memory_space<vmem_shared>> -> memref<10240x128xf32, #tpu.memory_space<vmem_shared>>
        tpu.enqueue_indirect_dma source(%arg8 : memref<128x128xf32, #tpu.memory_space<vmem>>) target(%dma_start3A_25 : memref<10240x128xf32, #tpu.memory_space<vmem_shared>>) offsets(%arg10 : memref<128xi32, #tpu.memory_space<vmem>>) semaphore(%run_scoped3A : memref<!tpu.dma_semaphore, #tpu.memory_space<semaphore_mem>>) {add = true}
        %dma_wait3A = arith.constant 0 : i32
        %dma_wait3A_26 = arith.constant 0 : i32
        %dma_wait3A_27 = tpu.memref_slice %arg7[%dma_wait3A, %dma_wait3A_26] : memref<10240x128xf32, #tpu.memory_space<vmem_shared>> -> memref<10240x128xf32, #tpu.memory_space<vmem_shared>>
        tpu.wait_indirect_dma semaphore(%run_scoped3A : memref<!tpu.dma_semaphore, #tpu.memory_space<semaphore_mem>>) src(%arg8 : memref<128x128xf32, #tpu.memory_space<vmem>>) dst(%dma_wait3A_27 : memref<10240x128xf32, #tpu.memory_space<vmem_shared>>)
        tpu.yield
      }) : () -> ()
    }
    %scan3A_10 = arith.constant 80 : i32
    %barrier3A_11 = arith.constant 0 : index
    tpu.barrier barrier_id(%barrier3A_11)
    %mul3A_12 = arith.constant 640 : i32
    %mul3A_13 = arith.muli %arg1, %mul3A_12 : i32
    %mul3A_14 = arith.constant 640 : i32
    %mul3A_15 = arith.muli %arg1, %mul3A_14 : i32
    "tpu.region"() ({
      %run_scoped3A = tpu.sem_alloc : memref<!tpu.dma_semaphore, #tpu.memory_space<semaphore_mem>>
      %dma_start3A = arith.constant 0 : i32
      %dma_start3A_16 = tpu.memref_slice %arg6[%arg0, %mul3A_15, %dma_start3A] : memref<2x10240x128xf32, #tpu.memory_space<hbm>> -> memref<1x640x128xf32, #tpu.memory_space<hbm>>
      %dma_start3A_17 = tpu.memref_squeeze %dma_start3A_16 : memref<1x640x128xf32, #tpu.memory_space<hbm>> -> memref<640x128xf32, #tpu.memory_space<hbm>>
      %dma_start3A_18 = arith.constant 0 : i32
      %dma_start3A_19 = tpu.memref_slice %arg7[%mul3A_13, %dma_start3A_18] : memref<10240x128xf32, #tpu.memory_space<vmem_shared>> -> memref<640x128xf32, #tpu.memory_space<vmem_shared>>
      tpu.enqueue_dma source(%dma_start3A_19 : memref<640x128xf32, #tpu.memory_space<vmem_shared>>) target(%dma_start3A_17 : memref<640x128xf32, #tpu.memory_space<hbm>>) target_semaphore(%run_scoped3A : memref<!tpu.dma_semaphore, #tpu.memory_space<semaphore_mem>>)
      %dma_wait3A = arith.constant 0 : i32
      %dma_wait3A_20 = tpu.memref_slice %arg6[%arg0, %mul3A_15, %dma_wait3A] : memref<2x10240x128xf32, #tpu.memory_space<hbm>> -> memref<1x640x128xf32, #tpu.memory_space<hbm>>
      %dma_wait3A_21 = tpu.memref_squeeze %dma_wait3A_20 : memref<1x640x128xf32, #tpu.memory_space<hbm>> -> memref<640x128xf32, #tpu.memory_space<hbm>>
      %dma_wait3A_22 = arith.constant 0 : i32
      %dma_wait3A_23 = tpu.memref_slice %arg7[%mul3A_13, %dma_wait3A_22] : memref<10240x128xf32, #tpu.memory_space<vmem_shared>> -> memref<640x128xf32, #tpu.memory_space<vmem_shared>>
      tpu.wait_dma2 semaphore(%run_scoped3A : memref<!tpu.dma_semaphore, #tpu.memory_space<semaphore_mem>>) src(%dma_wait3A_23 : memref<640x128xf32, #tpu.memory_space<vmem_shared>>) dst(%dma_wait3A_21 : memref<640x128xf32, #tpu.memory_space<hbm>>)
      tpu.yield
    }) : () -> ()
    return
  }
}

#map = affine_map<(d0, d1) -> (0)>
#map1 = affine_map<(d0, d1) -> (0, 0)>
#map2 = affine_map<(d0, d1) -> (0, 0, 0)>
module attributes {stable_mosaic.version = 14 : i64} {
  func.func @_deg_body(%arg0: i32, %arg1: i32, %arg2: memref<327680xi32, #tpu.memory_space<hbm>>, %arg3: memref<327680xi32, #tpu.memory_space<hbm>>, %arg4: memref<128x128xf32, #tpu.memory_space<hbm>>, %arg5: memref<128x128xf32, #tpu.memory_space<hbm>>, %arg6: memref<640x128xf32, #tpu.memory_space<hbm>>, %arg7: memref<2x10240x128xf32, #tpu.memory_space<hbm>>, %arg8: memref<10240x128xf32, #tpu.memory_space<vmem_shared>>, %arg9: memref<128x128xf32, #tpu.memory_space<vmem>>, %arg10: memref<128x128xf32, #tpu.memory_space<vmem>>, %arg11: memref<128xi32, #tpu.memory_space<vmem>>, %arg12: memref<128xi32, #tpu.memory_space<vmem>>) attributes {dimension_semantics = [#tpu.dimension_semantics<core_parallel>, #tpu.dimension_semantics<subcore_parallel>], iteration_bounds = array<i64: 2, 16>, scalar_prefetch = 0 : i64, scratch_operands = 5 : i64, tpu.core_type = #tpu.core_type<sc_vector_subcore>, window_params = [{transform_indices = #map}, {transform_indices = #map}, {transform_indices = #map1}, {transform_indices = #map1}, {transform_indices = #map1}, {transform_indices = #map2}]} {
    %mul3A = arith.constant 16 : i32
    %mul3A_0 = arith.muli %arg0, %mul3A : i32
    %add3A = arith.addi %mul3A_0, %arg1 : i32
    "tpu.region"() ({
      %run_scoped3A = tpu.sem_alloc : memref<!tpu.dma_semaphore, #tpu.memory_space<semaphore_mem>>
      tpu.enqueue_dma source(%arg4 : memref<128x128xf32, #tpu.memory_space<hbm>>) target(%arg9 : memref<128x128xf32, #tpu.memory_space<vmem>>) target_semaphore(%run_scoped3A : memref<!tpu.dma_semaphore, #tpu.memory_space<semaphore_mem>>)
      tpu.wait_dma2 semaphore(%run_scoped3A : memref<!tpu.dma_semaphore, #tpu.memory_space<semaphore_mem>>) src(%arg4 : memref<128x128xf32, #tpu.memory_space<hbm>>) dst(%arg9 : memref<128x128xf32, #tpu.memory_space<vmem>>)
      tpu.yield
    }) : () -> ()
    "tpu.region"() ({
      %run_scoped3A = tpu.sem_alloc : memref<!tpu.dma_semaphore, #tpu.memory_space<semaphore_mem>>
      tpu.enqueue_dma source(%arg5 : memref<128x128xf32, #tpu.memory_space<hbm>>) target(%arg10 : memref<128x128xf32, #tpu.memory_space<vmem>>) target_semaphore(%run_scoped3A : memref<!tpu.dma_semaphore, #tpu.memory_space<semaphore_mem>>)
      tpu.wait_dma2 semaphore(%run_scoped3A : memref<!tpu.dma_semaphore, #tpu.memory_space<semaphore_mem>>) src(%arg5 : memref<128x128xf32, #tpu.memory_space<hbm>>) dst(%arg10 : memref<128x128xf32, #tpu.memory_space<vmem>>)
      tpu.yield
    }) : () -> ()
    %mul3A_1 = arith.constant 640 : i32
    %mul3A_2 = arith.muli %arg1, %mul3A_1 : i32
    "tpu.region"() ({
      %run_scoped3A = tpu.sem_alloc : memref<!tpu.dma_semaphore, #tpu.memory_space<semaphore_mem>>
      %dma_start3A = arith.constant 0 : i32
      %dma_start3A_16 = tpu.memref_slice %arg8[%mul3A_2, %dma_start3A] : memref<10240x128xf32, #tpu.memory_space<vmem_shared>> -> memref<640x128xf32, #tpu.memory_space<vmem_shared>>
      tpu.enqueue_dma source(%arg6 : memref<640x128xf32, #tpu.memory_space<hbm>>) target(%dma_start3A_16 : memref<640x128xf32, #tpu.memory_space<vmem_shared>>) target_semaphore(%run_scoped3A : memref<!tpu.dma_semaphore, #tpu.memory_space<semaphore_mem>>)
      %dma_wait3A = arith.constant 0 : i32
      %dma_wait3A_17 = tpu.memref_slice %arg8[%mul3A_2, %dma_wait3A] : memref<10240x128xf32, #tpu.memory_space<vmem_shared>> -> memref<640x128xf32, #tpu.memory_space<vmem_shared>>
      tpu.wait_dma2 semaphore(%run_scoped3A : memref<!tpu.dma_semaphore, #tpu.memory_space<semaphore_mem>>) src(%arg6 : memref<640x128xf32, #tpu.memory_space<hbm>>) dst(%dma_wait3A_17 : memref<640x128xf32, #tpu.memory_space<vmem_shared>>)
      tpu.yield
    }) : () -> ()
    %barrier3A = arith.constant 0 : index
    tpu.barrier barrier_id(%barrier3A)
    %mul3A_3 = arith.constant 80 : i32
    %mul3A_4 = arith.muli %add3A, %mul3A_3 : i32
    %mul3A_5 = arith.constant 128 : i32
    %mul3A_6 = arith.muli %mul3A_4, %mul3A_5 : i32
    %scan3A = arith.constant 0 : i32
    %scan3A_7 = arith.constant 80 : i32
    %scan3A_8 = arith.addi %scan3A, %scan3A_7 : i32
    %scan3A_9 = arith.constant 1 : i32
    scf.for %scan3A_16 = %scan3A to %scan3A_8 step %scan3A_9  : i32 {
      %mul3A_17 = arith.constant 1 : i32
      %mul3A_18 = arith.muli %scan3A_16, %mul3A_17 : i32
      %add3A_19 = arith.constant 0 : i32
      %add3A_20 = arith.addi %add3A_19, %mul3A_18 : i32
      %mul3A_21 = arith.constant 128 : i32
      %mul3A_22 = arith.muli %add3A_20, %mul3A_21 : i32
      %add3A_23 = arith.addi %mul3A_6, %mul3A_22 : i32
      "tpu.region"() ({
        %run_scoped3A = tpu.sem_alloc : memref<!tpu.dma_semaphore, #tpu.memory_space<semaphore_mem>>
        %dma_start3A = tpu.memref_slice %arg2[%add3A_23] : memref<327680xi32, #tpu.memory_space<hbm>> -> memref<128xi32, #tpu.memory_space<hbm>>
        %dma_start3A_24 = tpu.memref_slice %arg2[%add3A_23] : memref<327680xi32, #tpu.memory_space<hbm>> -> memref<128xi32, #tpu.memory_space<hbm>>
        tpu.enqueue_dma source(%dma_start3A_24 : memref<128xi32, #tpu.memory_space<hbm>>) target(%arg11 : memref<128xi32, #tpu.memory_space<vmem>>) target_semaphore(%run_scoped3A : memref<!tpu.dma_semaphore, #tpu.memory_space<semaphore_mem>>)
        %dma_wait3A = tpu.memref_slice %arg2[%add3A_23] : memref<327680xi32, #tpu.memory_space<hbm>> -> memref<128xi32, #tpu.memory_space<hbm>>
        %dma_wait3A_25 = tpu.memref_slice %arg2[%add3A_23] : memref<327680xi32, #tpu.memory_space<hbm>> -> memref<128xi32, #tpu.memory_space<hbm>>
        tpu.wait_dma2 semaphore(%run_scoped3A : memref<!tpu.dma_semaphore, #tpu.memory_space<semaphore_mem>>) src(%dma_wait3A_25 : memref<128xi32, #tpu.memory_space<hbm>>) dst(%arg11 : memref<128xi32, #tpu.memory_space<vmem>>)
        tpu.yield
      }) : () -> ()
      "tpu.region"() ({
        %run_scoped3A = tpu.sem_alloc : memref<!tpu.dma_semaphore, #tpu.memory_space<semaphore_mem>>
        %dma_start3A = tpu.memref_slice %arg3[%add3A_23] : memref<327680xi32, #tpu.memory_space<hbm>> -> memref<128xi32, #tpu.memory_space<hbm>>
        %dma_start3A_24 = tpu.memref_slice %arg3[%add3A_23] : memref<327680xi32, #tpu.memory_space<hbm>> -> memref<128xi32, #tpu.memory_space<hbm>>
        tpu.enqueue_dma source(%dma_start3A_24 : memref<128xi32, #tpu.memory_space<hbm>>) target(%arg12 : memref<128xi32, #tpu.memory_space<vmem>>) target_semaphore(%run_scoped3A : memref<!tpu.dma_semaphore, #tpu.memory_space<semaphore_mem>>)
        %dma_wait3A = tpu.memref_slice %arg3[%add3A_23] : memref<327680xi32, #tpu.memory_space<hbm>> -> memref<128xi32, #tpu.memory_space<hbm>>
        %dma_wait3A_25 = tpu.memref_slice %arg3[%add3A_23] : memref<327680xi32, #tpu.memory_space<hbm>> -> memref<128xi32, #tpu.memory_space<hbm>>
        tpu.wait_dma2 semaphore(%run_scoped3A : memref<!tpu.dma_semaphore, #tpu.memory_space<semaphore_mem>>) src(%dma_wait3A_25 : memref<128xi32, #tpu.memory_space<hbm>>) dst(%arg12 : memref<128xi32, #tpu.memory_space<vmem>>)
        tpu.yield
      }) : () -> ()
      "tpu.region"() ({
        %run_scoped3A = tpu.sem_alloc : memref<!tpu.dma_semaphore, #tpu.memory_space<semaphore_mem>>
        %dma_start3A = arith.constant 0 : i32
        %dma_start3A_24 = arith.constant 0 : i32
        %dma_start3A_25 = tpu.memref_slice %arg8[%dma_start3A, %dma_start3A_24] : memref<10240x128xf32, #tpu.memory_space<vmem_shared>> -> memref<10240x128xf32, #tpu.memory_space<vmem_shared>>
        tpu.enqueue_indirect_dma source(%arg9 : memref<128x128xf32, #tpu.memory_space<vmem>>) target(%dma_start3A_25 : memref<10240x128xf32, #tpu.memory_space<vmem_shared>>) offsets(%arg11 : memref<128xi32, #tpu.memory_space<vmem>>) semaphore(%run_scoped3A : memref<!tpu.dma_semaphore, #tpu.memory_space<semaphore_mem>>) {add = true}
        %dma_wait3A = arith.constant 0 : i32
        %dma_wait3A_26 = arith.constant 0 : i32
        %dma_wait3A_27 = tpu.memref_slice %arg8[%dma_wait3A, %dma_wait3A_26] : memref<10240x128xf32, #tpu.memory_space<vmem_shared>> -> memref<10240x128xf32, #tpu.memory_space<vmem_shared>>
        tpu.wait_indirect_dma semaphore(%run_scoped3A : memref<!tpu.dma_semaphore, #tpu.memory_space<semaphore_mem>>) src(%arg9 : memref<128x128xf32, #tpu.memory_space<vmem>>) dst(%dma_wait3A_27 : memref<10240x128xf32, #tpu.memory_space<vmem_shared>>)
        tpu.yield
      }) : () -> ()
      "tpu.region"() ({
        %run_scoped3A = tpu.sem_alloc : memref<!tpu.dma_semaphore, #tpu.memory_space<semaphore_mem>>
        %dma_start3A = arith.constant 0 : i32
        %dma_start3A_24 = arith.constant 0 : i32
        %dma_start3A_25 = tpu.memref_slice %arg8[%dma_start3A, %dma_start3A_24] : memref<10240x128xf32, #tpu.memory_space<vmem_shared>> -> memref<10240x128xf32, #tpu.memory_space<vmem_shared>>
        tpu.enqueue_indirect_dma source(%arg10 : memref<128x128xf32, #tpu.memory_space<vmem>>) target(%dma_start3A_25 : memref<10240x128xf32, #tpu.memory_space<vmem_shared>>) offsets(%arg12 : memref<128xi32, #tpu.memory_space<vmem>>) semaphore(%run_scoped3A : memref<!tpu.dma_semaphore, #tpu.memory_space<semaphore_mem>>) {add = true}
        %dma_wait3A = arith.constant 0 : i32
        %dma_wait3A_26 = arith.constant 0 : i32
        %dma_wait3A_27 = tpu.memref_slice %arg8[%dma_wait3A, %dma_wait3A_26] : memref<10240x128xf32, #tpu.memory_space<vmem_shared>> -> memref<10240x128xf32, #tpu.memory_space<vmem_shared>>
        tpu.wait_indirect_dma semaphore(%run_scoped3A : memref<!tpu.dma_semaphore, #tpu.memory_space<semaphore_mem>>) src(%arg10 : memref<128x128xf32, #tpu.memory_space<vmem>>) dst(%dma_wait3A_27 : memref<10240x128xf32, #tpu.memory_space<vmem_shared>>)
        tpu.yield
      }) : () -> ()
    }
    %scan3A_10 = arith.constant 80 : i32
    %barrier3A_11 = arith.constant 0 : index
    tpu.barrier barrier_id(%barrier3A_11)
    %mul3A_12 = arith.constant 640 : i32
    %mul3A_13 = arith.muli %arg1, %mul3A_12 : i32
    %mul3A_14 = arith.constant 640 : i32
    %mul3A_15 = arith.muli %arg1, %mul3A_14 : i32
    "tpu.region"() ({
      %run_scoped3A = tpu.sem_alloc : memref<!tpu.dma_semaphore, #tpu.memory_space<semaphore_mem>>
      %dma_start3A = arith.constant 0 : i32
      %dma_start3A_16 = tpu.memref_slice %arg7[%arg0, %mul3A_15, %dma_start3A] : memref<2x10240x128xf32, #tpu.memory_space<hbm>> -> memref<1x640x128xf32, #tpu.memory_space<hbm>>
      %dma_start3A_17 = tpu.memref_squeeze %dma_start3A_16 : memref<1x640x128xf32, #tpu.memory_space<hbm>> -> memref<640x128xf32, #tpu.memory_space<hbm>>
      %dma_start3A_18 = arith.constant 0 : i32
      %dma_start3A_19 = tpu.memref_slice %arg8[%mul3A_13, %dma_start3A_18] : memref<10240x128xf32, #tpu.memory_space<vmem_shared>> -> memref<640x128xf32, #tpu.memory_space<vmem_shared>>
      tpu.enqueue_dma source(%dma_start3A_19 : memref<640x128xf32, #tpu.memory_space<vmem_shared>>) target(%dma_start3A_17 : memref<640x128xf32, #tpu.memory_space<hbm>>) target_semaphore(%run_scoped3A : memref<!tpu.dma_semaphore, #tpu.memory_space<semaphore_mem>>)
      %dma_wait3A = arith.constant 0 : i32
      %dma_wait3A_20 = tpu.memref_slice %arg7[%arg0, %mul3A_15, %dma_wait3A] : memref<2x10240x128xf32, #tpu.memory_space<hbm>> -> memref<1x640x128xf32, #tpu.memory_space<hbm>>
      %dma_wait3A_21 = tpu.memref_squeeze %dma_wait3A_20 : memref<1x640x128xf32, #tpu.memory_space<hbm>> -> memref<640x128xf32, #tpu.memory_space<hbm>>
      %dma_wait3A_22 = arith.constant 0 : i32
      %dma_wait3A_23 = tpu.memref_slice %arg8[%mul3A_13, %dma_wait3A_22] : memref<10240x128xf32, #tpu.memory_space<vmem_shared>> -> memref<640x128xf32, #tpu.memory_space<vmem_shared>>
      tpu.wait_dma2 semaphore(%run_scoped3A : memref<!tpu.dma_semaphore, #tpu.memory_space<semaphore_mem>>) src(%dma_wait3A_23 : memref<640x128xf32, #tpu.memory_space<vmem_shared>>) dst(%dma_wait3A_21 : memref<640x128xf32, #tpu.memory_space<hbm>>)
      tpu.yield
    }) : () -> ()
    return
  }
}

#map = affine_map<(d0, d1) -> (0, 0)>
#map1 = affine_map<(d0, d1) -> (0)>
#map2 = affine_map<(d0, d1) -> (0, 0, 0)>
module attributes {stable_mosaic.version = 14 : i64} {
  func.func @_scatter_body(%arg0: i32, %arg1: i32, %arg2: memref<10240x128xf32, #tpu.memory_space<hbm>>, %arg3: memref<327680xi32, #tpu.memory_space<hbm>>, %arg4: memref<327680xi32, #tpu.memory_space<hbm>>, %arg5: memref<640x128xf32, #tpu.memory_space<hbm>>, %arg6: memref<2x10240x128xf32, #tpu.memory_space<hbm>>, %arg7: memref<10240x128xf32, #tpu.memory_space<vmem_shared>>, %arg8: memref<128x128xf32, #tpu.memory_space<vmem>>, %arg9: memref<128xi32, #tpu.memory_space<vmem>>, %arg10: memref<128xi32, #tpu.memory_space<vmem>>) attributes {dimension_semantics = [#tpu.dimension_semantics<core_parallel>, #tpu.dimension_semantics<subcore_parallel>], iteration_bounds = array<i64: 2, 16>, scalar_prefetch = 0 : i64, scratch_operands = 4 : i64, tpu.core_type = #tpu.core_type<sc_vector_subcore>, window_params = [{transform_indices = #map}, {transform_indices = #map1}, {transform_indices = #map1}, {transform_indices = #map}, {transform_indices = #map2}]} {
    %mul3A = arith.constant 16 : i32
    %mul3A_0 = arith.muli %arg0, %mul3A : i32
    %add3A = arith.addi %mul3A_0, %arg1 : i32
    %mul3A_1 = arith.constant 640 : i32
    %mul3A_2 = arith.muli %arg1, %mul3A_1 : i32
    "tpu.region"() ({
      %run_scoped3A = tpu.sem_alloc : memref<!tpu.dma_semaphore, #tpu.memory_space<semaphore_mem>>
      %dma_start3A = arith.constant 0 : i32
      %dma_start3A_16 = tpu.memref_slice %arg7[%mul3A_2, %dma_start3A] : memref<10240x128xf32, #tpu.memory_space<vmem_shared>> -> memref<640x128xf32, #tpu.memory_space<vmem_shared>>
      tpu.enqueue_dma source(%arg5 : memref<640x128xf32, #tpu.memory_space<hbm>>) target(%dma_start3A_16 : memref<640x128xf32, #tpu.memory_space<vmem_shared>>) target_semaphore(%run_scoped3A : memref<!tpu.dma_semaphore, #tpu.memory_space<semaphore_mem>>)
      %dma_wait3A = arith.constant 0 : i32
      %dma_wait3A_17 = tpu.memref_slice %arg7[%mul3A_2, %dma_wait3A] : memref<10240x128xf32, #tpu.memory_space<vmem_shared>> -> memref<640x128xf32, #tpu.memory_space<vmem_shared>>
      tpu.wait_dma2 semaphore(%run_scoped3A : memref<!tpu.dma_semaphore, #tpu.memory_space<semaphore_mem>>) src(%arg5 : memref<640x128xf32, #tpu.memory_space<hbm>>) dst(%dma_wait3A_17 : memref<640x128xf32, #tpu.memory_space<vmem_shared>>)
      tpu.yield
    }) : () -> ()
    %barrier3A = arith.constant 0 : index
    tpu.barrier barrier_id(%barrier3A)
    %mul3A_3 = arith.constant 80 : i32
    %mul3A_4 = arith.muli %add3A, %mul3A_3 : i32
    %mul3A_5 = arith.constant 128 : i32
    %mul3A_6 = arith.muli %mul3A_4, %mul3A_5 : i32
    %scan3A = arith.constant 0 : i32
    %scan3A_7 = arith.constant 80 : i32
    %scan3A_8 = arith.addi %scan3A, %scan3A_7 : i32
    %scan3A_9 = arith.constant 1 : i32
    scf.for %scan3A_16 = %scan3A to %scan3A_8 step %scan3A_9  : i32 {
      %mul3A_17 = arith.constant 1 : i32
      %mul3A_18 = arith.muli %scan3A_16, %mul3A_17 : i32
      %add3A_19 = arith.constant 0 : i32
      %add3A_20 = arith.addi %add3A_19, %mul3A_18 : i32
      %mul3A_21 = arith.constant 128 : i32
      %mul3A_22 = arith.muli %add3A_20, %mul3A_21 : i32
      %add3A_23 = arith.addi %mul3A_6, %mul3A_22 : i32
      "tpu.region"() ({
        %run_scoped3A = tpu.sem_alloc : memref<!tpu.dma_semaphore, #tpu.memory_space<semaphore_mem>>
        %dma_start3A = tpu.memref_slice %arg3[%add3A_23] : memref<327680xi32, #tpu.memory_space<hbm>> -> memref<128xi32, #tpu.memory_space<hbm>>
        %dma_start3A_24 = tpu.memref_slice %arg3[%add3A_23] : memref<327680xi32, #tpu.memory_space<hbm>> -> memref<128xi32, #tpu.memory_space<hbm>>
        tpu.enqueue_dma source(%dma_start3A_24 : memref<128xi32, #tpu.memory_space<hbm>>) target(%arg9 : memref<128xi32, #tpu.memory_space<vmem>>) target_semaphore(%run_scoped3A : memref<!tpu.dma_semaphore, #tpu.memory_space<semaphore_mem>>)
        %dma_wait3A = tpu.memref_slice %arg3[%add3A_23] : memref<327680xi32, #tpu.memory_space<hbm>> -> memref<128xi32, #tpu.memory_space<hbm>>
        %dma_wait3A_25 = tpu.memref_slice %arg3[%add3A_23] : memref<327680xi32, #tpu.memory_space<hbm>> -> memref<128xi32, #tpu.memory_space<hbm>>
        tpu.wait_dma2 semaphore(%run_scoped3A : memref<!tpu.dma_semaphore, #tpu.memory_space<semaphore_mem>>) src(%dma_wait3A_25 : memref<128xi32, #tpu.memory_space<hbm>>) dst(%arg9 : memref<128xi32, #tpu.memory_space<vmem>>)
        tpu.yield
      }) : () -> ()
      "tpu.region"() ({
        %run_scoped3A = tpu.sem_alloc : memref<!tpu.dma_semaphore, #tpu.memory_space<semaphore_mem>>
        %dma_start3A = tpu.memref_slice %arg4[%add3A_23] : memref<327680xi32, #tpu.memory_space<hbm>> -> memref<128xi32, #tpu.memory_space<hbm>>
        %dma_start3A_24 = tpu.memref_slice %arg4[%add3A_23] : memref<327680xi32, #tpu.memory_space<hbm>> -> memref<128xi32, #tpu.memory_space<hbm>>
        tpu.enqueue_dma source(%dma_start3A_24 : memref<128xi32, #tpu.memory_space<hbm>>) target(%arg10 : memref<128xi32, #tpu.memory_space<vmem>>) target_semaphore(%run_scoped3A : memref<!tpu.dma_semaphore, #tpu.memory_space<semaphore_mem>>)
        %dma_wait3A = tpu.memref_slice %arg4[%add3A_23] : memref<327680xi32, #tpu.memory_space<hbm>> -> memref<128xi32, #tpu.memory_space<hbm>>
        %dma_wait3A_25 = tpu.memref_slice %arg4[%add3A_23] : memref<327680xi32, #tpu.memory_space<hbm>> -> memref<128xi32, #tpu.memory_space<hbm>>
        tpu.wait_dma2 semaphore(%run_scoped3A : memref<!tpu.dma_semaphore, #tpu.memory_space<semaphore_mem>>) src(%dma_wait3A_25 : memref<128xi32, #tpu.memory_space<hbm>>) dst(%arg10 : memref<128xi32, #tpu.memory_space<vmem>>)
        tpu.yield
      }) : () -> ()
      "tpu.region"() ({
        %run_scoped3A = tpu.sem_alloc : memref<!tpu.dma_semaphore, #tpu.memory_space<semaphore_mem>>
        %dma_start3A = arith.constant 0 : i32
        %dma_start3A_24 = arith.constant 0 : i32
        %dma_start3A_25 = tpu.memref_slice %arg2[%dma_start3A, %dma_start3A_24] : memref<10240x128xf32, #tpu.memory_space<hbm>> -> memref<10240x128xf32, #tpu.memory_space<hbm>>
        tpu.enqueue_indirect_dma source(%dma_start3A_25 : memref<10240x128xf32, #tpu.memory_space<hbm>>) target(%arg8 : memref<128x128xf32, #tpu.memory_space<vmem>>) offsets(%arg9 : memref<128xi32, #tpu.memory_space<vmem>>) semaphore(%run_scoped3A : memref<!tpu.dma_semaphore, #tpu.memory_space<semaphore_mem>>)
        %dma_wait3A = arith.constant 0 : i32
        %dma_wait3A_26 = arith.constant 0 : i32
        %dma_wait3A_27 = tpu.memref_slice %arg2[%dma_wait3A, %dma_wait3A_26] : memref<10240x128xf32, #tpu.memory_space<hbm>> -> memref<10240x128xf32, #tpu.memory_space<hbm>>
        tpu.wait_indirect_dma semaphore(%run_scoped3A : memref<!tpu.dma_semaphore, #tpu.memory_space<semaphore_mem>>) src(%dma_wait3A_27 : memref<10240x128xf32, #tpu.memory_space<hbm>>) dst(%arg8 : memref<128x128xf32, #tpu.memory_space<vmem>>)
        tpu.yield
      }) : () -> ()
      "tpu.region"() ({
        %run_scoped3A = tpu.sem_alloc : memref<!tpu.dma_semaphore, #tpu.memory_space<semaphore_mem>>
        %dma_start3A = arith.constant 0 : i32
        %dma_start3A_24 = arith.constant 0 : i32
        %dma_start3A_25 = tpu.memref_slice %arg7[%dma_start3A, %dma_start3A_24] : memref<10240x128xf32, #tpu.memory_space<vmem_shared>> -> memref<10240x128xf32, #tpu.memory_space<vmem_shared>>
        tpu.enqueue_indirect_dma source(%arg8 : memref<128x128xf32, #tpu.memory_space<vmem>>) target(%dma_start3A_25 : memref<10240x128xf32, #tpu.memory_space<vmem_shared>>) offsets(%arg10 : memref<128xi32, #tpu.memory_space<vmem>>) semaphore(%run_scoped3A : memref<!tpu.dma_semaphore, #tpu.memory_space<semaphore_mem>>) {add = true}
        %dma_wait3A = arith.constant 0 : i32
        %dma_wait3A_26 = arith.constant 0 : i32
        %dma_wait3A_27 = tpu.memref_slice %arg7[%dma_wait3A, %dma_wait3A_26] : memref<10240x128xf32, #tpu.memory_space<vmem_shared>> -> memref<10240x128xf32, #tpu.memory_space<vmem_shared>>
        tpu.wait_indirect_dma semaphore(%run_scoped3A : memref<!tpu.dma_semaphore, #tpu.memory_space<semaphore_mem>>) src(%arg8 : memref<128x128xf32, #tpu.memory_space<vmem>>) dst(%dma_wait3A_27 : memref<10240x128xf32, #tpu.memory_space<vmem_shared>>)
        tpu.yield
      }) : () -> ()
    }
    %scan3A_10 = arith.constant 80 : i32
    %barrier3A_11 = arith.constant 0 : index
    tpu.barrier barrier_id(%barrier3A_11)
    %mul3A_12 = arith.constant 640 : i32
    %mul3A_13 = arith.muli %arg1, %mul3A_12 : i32
    %mul3A_14 = arith.constant 640 : i32
    %mul3A_15 = arith.muli %arg1, %mul3A_14 : i32
    "tpu.region"() ({
      %run_scoped3A = tpu.sem_alloc : memref<!tpu.dma_semaphore, #tpu.memory_space<semaphore_mem>>
      %dma_start3A = arith.constant 0 : i32
      %dma_start3A_16 = tpu.memref_slice %arg6[%arg0, %mul3A_15, %dma_start3A] : memref<2x10240x128xf32, #tpu.memory_space<hbm>> -> memref<1x640x128xf32, #tpu.memory_space<hbm>>
      %dma_start3A_17 = tpu.memref_squeeze %dma_start3A_16 : memref<1x640x128xf32, #tpu.memory_space<hbm>> -> memref<640x128xf32, #tpu.memory_space<hbm>>
      %dma_start3A_18 = arith.constant 0 : i32
      %dma_start3A_19 = tpu.memref_slice %arg7[%mul3A_13, %dma_start3A_18] : memref<10240x128xf32, #tpu.memory_space<vmem_shared>> -> memref<640x128xf32, #tpu.memory_space<vmem_shared>>
      tpu.enqueue_dma source(%dma_start3A_19 : memref<640x128xf32, #tpu.memory_space<vmem_shared>>) target(%dma_start3A_17 : memref<640x128xf32, #tpu.memory_space<hbm>>) target_semaphore(%run_scoped3A : memref<!tpu.dma_semaphore, #tpu.memory_space<semaphore_mem>>)
      %dma_wait3A = arith.constant 0 : i32
      %dma_wait3A_20 = tpu.memref_slice %arg6[%arg0, %mul3A_15, %dma_wait3A] : memref<2x10240x128xf32, #tpu.memory_space<hbm>> -> memref<1x640x128xf32, #tpu.memory_space<hbm>>
      %dma_wait3A_21 = tpu.memref_squeeze %dma_wait3A_20 : memref<1x640x128xf32, #tpu.memory_space<hbm>> -> memref<640x128xf32, #tpu.memory_space<hbm>>
      %dma_wait3A_22 = arith.constant 0 : i32
      %dma_wait3A_23 = tpu.memref_slice %arg7[%mul3A_13, %dma_wait3A_22] : memref<10240x128xf32, #tpu.memory_space<vmem_shared>> -> memref<640x128xf32, #tpu.memory_space<vmem_shared>>
      tpu.wait_dma2 semaphore(%run_scoped3A : memref<!tpu.dma_semaphore, #tpu.memory_space<semaphore_mem>>) src(%dma_wait3A_23 : memref<640x128xf32, #tpu.memory_space<vmem_shared>>) dst(%dma_wait3A_21 : memref<640x128xf32, #tpu.memory_space<hbm>>)
      tpu.yield
    }) : () -> ()
    return
  }
}

#map = affine_map<(d0, d1) -> (0, 0)>
#map1 = affine_map<(d0, d1) -> (0)>
#map2 = affine_map<(d0, d1) -> (0, 0, 0)>
module attributes {stable_mosaic.version = 14 : i64} {
  func.func @_scatter_body(%arg0: i32, %arg1: i32, %arg2: memref<10240x128xf32, #tpu.memory_space<hbm>>, %arg3: memref<327680xi32, #tpu.memory_space<hbm>>, %arg4: memref<327680xi32, #tpu.memory_space<hbm>>, %arg5: memref<640x128xf32, #tpu.memory_space<hbm>>, %arg6: memref<2x10240x128xf32, #tpu.memory_space<hbm>>, %arg7: memref<10240x128xf32, #tpu.memory_space<vmem_shared>>, %arg8: memref<128x128xf32, #tpu.memory_space<vmem>>, %arg9: memref<128xi32, #tpu.memory_space<vmem>>, %arg10: memref<128xi32, #tpu.memory_space<vmem>>) attributes {dimension_semantics = [#tpu.dimension_semantics<core_parallel>, #tpu.dimension_semantics<subcore_parallel>], iteration_bounds = array<i64: 2, 16>, scalar_prefetch = 0 : i64, scratch_operands = 4 : i64, tpu.core_type = #tpu.core_type<sc_vector_subcore>, window_params = [{transform_indices = #map}, {transform_indices = #map1}, {transform_indices = #map1}, {transform_indices = #map}, {transform_indices = #map2}]} {
    %mul3A = arith.constant 16 : i32
    %mul3A_0 = arith.muli %arg0, %mul3A : i32
    %add3A = arith.addi %mul3A_0, %arg1 : i32
    %mul3A_1 = arith.constant 640 : i32
    %mul3A_2 = arith.muli %arg1, %mul3A_1 : i32
    "tpu.region"() ({
      %run_scoped3A = tpu.sem_alloc : memref<!tpu.dma_semaphore, #tpu.memory_space<semaphore_mem>>
      %dma_start3A = arith.constant 0 : i32
      %dma_start3A_16 = tpu.memref_slice %arg7[%mul3A_2, %dma_start3A] : memref<10240x128xf32, #tpu.memory_space<vmem_shared>> -> memref<640x128xf32, #tpu.memory_space<vmem_shared>>
      tpu.enqueue_dma source(%arg5 : memref<640x128xf32, #tpu.memory_space<hbm>>) target(%dma_start3A_16 : memref<640x128xf32, #tpu.memory_space<vmem_shared>>) target_semaphore(%run_scoped3A : memref<!tpu.dma_semaphore, #tpu.memory_space<semaphore_mem>>)
      %dma_wait3A = arith.constant 0 : i32
      %dma_wait3A_17 = tpu.memref_slice %arg7[%mul3A_2, %dma_wait3A] : memref<10240x128xf32, #tpu.memory_space<vmem_shared>> -> memref<640x128xf32, #tpu.memory_space<vmem_shared>>
      tpu.wait_dma2 semaphore(%run_scoped3A : memref<!tpu.dma_semaphore, #tpu.memory_space<semaphore_mem>>) src(%arg5 : memref<640x128xf32, #tpu.memory_space<hbm>>) dst(%dma_wait3A_17 : memref<640x128xf32, #tpu.memory_space<vmem_shared>>)
      tpu.yield
    }) : () -> ()
    %barrier3A = arith.constant 0 : index
    tpu.barrier barrier_id(%barrier3A)
    %mul3A_3 = arith.constant 80 : i32
    %mul3A_4 = arith.muli %add3A, %mul3A_3 : i32
    %mul3A_5 = arith.constant 128 : i32
    %mul3A_6 = arith.muli %mul3A_4, %mul3A_5 : i32
    %scan3A = arith.constant 0 : i32
    %scan3A_7 = arith.constant 80 : i32
    %scan3A_8 = arith.addi %scan3A, %scan3A_7 : i32
    %scan3A_9 = arith.constant 1 : i32
    scf.for %scan3A_16 = %scan3A to %scan3A_8 step %scan3A_9  : i32 {
      %mul3A_17 = arith.constant 1 : i32
      %mul3A_18 = arith.muli %scan3A_16, %mul3A_17 : i32
      %add3A_19 = arith.constant 0 : i32
      %add3A_20 = arith.addi %add3A_19, %mul3A_18 : i32
      %mul3A_21 = arith.constant 128 : i32
      %mul3A_22 = arith.muli %add3A_20, %mul3A_21 : i32
      %add3A_23 = arith.addi %mul3A_6, %mul3A_22 : i32
      "tpu.region"() ({
        %run_scoped3A = tpu.sem_alloc : memref<!tpu.dma_semaphore, #tpu.memory_space<semaphore_mem>>
        %dma_start3A = tpu.memref_slice %arg3[%add3A_23] : memref<327680xi32, #tpu.memory_space<hbm>> -> memref<128xi32, #tpu.memory_space<hbm>>
        %dma_start3A_24 = tpu.memref_slice %arg3[%add3A_23] : memref<327680xi32, #tpu.memory_space<hbm>> -> memref<128xi32, #tpu.memory_space<hbm>>
        tpu.enqueue_dma source(%dma_start3A_24 : memref<128xi32, #tpu.memory_space<hbm>>) target(%arg9 : memref<128xi32, #tpu.memory_space<vmem>>) target_semaphore(%run_scoped3A : memref<!tpu.dma_semaphore, #tpu.memory_space<semaphore_mem>>)
        %dma_wait3A = tpu.memref_slice %arg3[%add3A_23] : memref<327680xi32, #tpu.memory_space<hbm>> -> memref<128xi32, #tpu.memory_space<hbm>>
        %dma_wait3A_25 = tpu.memref_slice %arg3[%add3A_23] : memref<327680xi32, #tpu.memory_space<hbm>> -> memref<128xi32, #tpu.memory_space<hbm>>
        tpu.wait_dma2 semaphore(%run_scoped3A : memref<!tpu.dma_semaphore, #tpu.memory_space<semaphore_mem>>) src(%dma_wait3A_25 : memref<128xi32, #tpu.memory_space<hbm>>) dst(%arg9 : memref<128xi32, #tpu.memory_space<vmem>>)
        tpu.yield
      }) : () -> ()
      "tpu.region"() ({
        %run_scoped3A = tpu.sem_alloc : memref<!tpu.dma_semaphore, #tpu.memory_space<semaphore_mem>>
        %dma_start3A = tpu.memref_slice %arg4[%add3A_23] : memref<327680xi32, #tpu.memory_space<hbm>> -> memref<128xi32, #tpu.memory_space<hbm>>
        %dma_start3A_24 = tpu.memref_slice %arg4[%add3A_23] : memref<327680xi32, #tpu.memory_space<hbm>> -> memref<128xi32, #tpu.memory_space<hbm>>
        tpu.enqueue_dma source(%dma_start3A_24 : memref<128xi32, #tpu.memory_space<hbm>>) target(%arg10 : memref<128xi32, #tpu.memory_space<vmem>>) target_semaphore(%run_scoped3A : memref<!tpu.dma_semaphore, #tpu.memory_space<semaphore_mem>>)
        %dma_wait3A = tpu.memref_slice %arg4[%add3A_23] : memref<327680xi32, #tpu.memory_space<hbm>> -> memref<128xi32, #tpu.memory_space<hbm>>
        %dma_wait3A_25 = tpu.memref_slice %arg4[%add3A_23] : memref<327680xi32, #tpu.memory_space<hbm>> -> memref<128xi32, #tpu.memory_space<hbm>>
        tpu.wait_dma2 semaphore(%run_scoped3A : memref<!tpu.dma_semaphore, #tpu.memory_space<semaphore_mem>>) src(%dma_wait3A_25 : memref<128xi32, #tpu.memory_space<hbm>>) dst(%arg10 : memref<128xi32, #tpu.memory_space<vmem>>)
        tpu.yield
      }) : () -> ()
      "tpu.region"() ({
        %run_scoped3A = tpu.sem_alloc : memref<!tpu.dma_semaphore, #tpu.memory_space<semaphore_mem>>
        %dma_start3A = arith.constant 0 : i32
        %dma_start3A_24 = arith.constant 0 : i32
        %dma_start3A_25 = tpu.memref_slice %arg2[%dma_start3A, %dma_start3A_24] : memref<10240x128xf32, #tpu.memory_space<hbm>> -> memref<10240x128xf32, #tpu.memory_space<hbm>>
        tpu.enqueue_indirect_dma source(%dma_start3A_25 : memref<10240x128xf32, #tpu.memory_space<hbm>>) target(%arg8 : memref<128x128xf32, #tpu.memory_space<vmem>>) offsets(%arg9 : memref<128xi32, #tpu.memory_space<vmem>>) semaphore(%run_scoped3A : memref<!tpu.dma_semaphore, #tpu.memory_space<semaphore_mem>>)
        %dma_wait3A = arith.constant 0 : i32
        %dma_wait3A_26 = arith.constant 0 : i32
        %dma_wait3A_27 = tpu.memref_slice %arg2[%dma_wait3A, %dma_wait3A_26] : memref<10240x128xf32, #tpu.memory_space<hbm>> -> memref<10240x128xf32, #tpu.memory_space<hbm>>
        tpu.wait_indirect_dma semaphore(%run_scoped3A : memref<!tpu.dma_semaphore, #tpu.memory_space<semaphore_mem>>) src(%dma_wait3A_27 : memref<10240x128xf32, #tpu.memory_space<hbm>>) dst(%arg8 : memref<128x128xf32, #tpu.memory_space<vmem>>)
        tpu.yield
      }) : () -> ()
      "tpu.region"() ({
        %run_scoped3A = tpu.sem_alloc : memref<!tpu.dma_semaphore, #tpu.memory_space<semaphore_mem>>
        %dma_start3A = arith.constant 0 : i32
        %dma_start3A_24 = arith.constant 0 : i32
        %dma_start3A_25 = tpu.memref_slice %arg7[%dma_start3A, %dma_start3A_24] : memref<10240x128xf32, #tpu.memory_space<vmem_shared>> -> memref<10240x128xf32, #tpu.memory_space<vmem_shared>>
        tpu.enqueue_indirect_dma source(%arg8 : memref<128x128xf32, #tpu.memory_space<vmem>>) target(%dma_start3A_25 : memref<10240x128xf32, #tpu.memory_space<vmem_shared>>) offsets(%arg10 : memref<128xi32, #tpu.memory_space<vmem>>) semaphore(%run_scoped3A : memref<!tpu.dma_semaphore, #tpu.memory_space<semaphore_mem>>) {add = true}
        %dma_wait3A = arith.constant 0 : i32
        %dma_wait3A_26 = arith.constant 0 : i32
        %dma_wait3A_27 = tpu.memref_slice %arg7[%dma_wait3A, %dma_wait3A_26] : memref<10240x128xf32, #tpu.memory_space<vmem_shared>> -> memref<10240x128xf32, #tpu.memory_space<vmem_shared>>
        tpu.wait_indirect_dma semaphore(%run_scoped3A : memref<!tpu.dma_semaphore, #tpu.memory_space<semaphore_mem>>) src(%arg8 : memref<128x128xf32, #tpu.memory_space<vmem>>) dst(%dma_wait3A_27 : memref<10240x128xf32, #tpu.memory_space<vmem_shared>>)
        tpu.yield
      }) : () -> ()
    }
    %scan3A_10 = arith.constant 80 : i32
    %barrier3A_11 = arith.constant 0 : index
    tpu.barrier barrier_id(%barrier3A_11)
    %mul3A_12 = arith.constant 640 : i32
    %mul3A_13 = arith.muli %arg1, %mul3A_12 : i32
    %mul3A_14 = arith.constant 640 : i32
    %mul3A_15 = arith.muli %arg1, %mul3A_14 : i32
    "tpu.region"() ({
      %run_scoped3A = tpu.sem_alloc : memref<!tpu.dma_semaphore, #tpu.memory_space<semaphore_mem>>
      %dma_start3A = arith.constant 0 : i32
      %dma_start3A_16 = tpu.memref_slice %arg6[%arg0, %mul3A_15, %dma_start3A] : memref<2x10240x128xf32, #tpu.memory_space<hbm>> -> memref<1x640x128xf32, #tpu.memory_space<hbm>>
      %dma_start3A_17 = tpu.memref_squeeze %dma_start3A_16 : memref<1x640x128xf32, #tpu.memory_space<hbm>> -> memref<640x128xf32, #tpu.memory_space<hbm>>
      %dma_start3A_18 = arith.constant 0 : i32
      %dma_start3A_19 = tpu.memref_slice %arg7[%mul3A_13, %dma_start3A_18] : memref<10240x128xf32, #tpu.memory_space<vmem_shared>> -> memref<640x128xf32, #tpu.memory_space<vmem_shared>>
      tpu.enqueue_dma source(%dma_start3A_19 : memref<640x128xf32, #tpu.memory_space<vmem_shared>>) target(%dma_start3A_17 : memref<640x128xf32, #tpu.memory_space<hbm>>) target_semaphore(%run_scoped3A : memref<!tpu.dma_semaphore, #tpu.memory_space<semaphore_mem>>)
      %dma_wait3A = arith.constant 0 : i32
      %dma_wait3A_20 = tpu.memref_slice %arg6[%arg0, %mul3A_15, %dma_wait3A] : memref<2x10240x128xf32, #tpu.memory_space<hbm>> -> memref<1x640x128xf32, #tpu.memory_space<hbm>>
      %dma_wait3A_21 = tpu.memref_squeeze %dma_wait3A_20 : memref<1x640x128xf32, #tpu.memory_space<hbm>> -> memref<640x128xf32, #tpu.memory_space<hbm>>
      %dma_wait3A_22 = arith.constant 0 : i32
      %dma_wait3A_23 = tpu.memref_slice %arg7[%mul3A_13, %dma_wait3A_22] : memref<10240x128xf32, #tpu.memory_space<vmem_shared>> -> memref<640x128xf32, #tpu.memory_space<vmem_shared>>
      tpu.wait_dma2 semaphore(%run_scoped3A : memref<!tpu.dma_semaphore, #tpu.memory_space<semaphore_mem>>) src(%dma_wait3A_23 : memref<640x128xf32, #tpu.memory_space<vmem_shared>>) dst(%dma_wait3A_21 : memref<640x128xf32, #tpu.memory_space<hbm>>)
      tpu.yield
    }) : () -> ()
    return
  }
}

module attributes {stable_mosaic.version = 14 : i64} {
  func.func @_prep_body(%arg0: i32, %arg1: memref<2x1024x128xf32, #tpu.memory_space<vmem>>, %arg2: memref<1024x128xf32, #tpu.memory_space<vmem>>, %arg3: memref<1024x128xf32, #tpu.memory_space<vmem>>, %arg4: memref<1024x128xf32, #tpu.memory_space<vmem>>, %arg5: memref<1024x128xf32, #tpu.memory_space<vmem>>) attributes {dimension_semantics = [#tpu.dimension_semantics<arbitrary>], iteration_bounds = array<i64: 10>, scalar_prefetch = 0 : i64, scratch_operands = 0 : i64, tpu.core_type = #tpu.core_type<tc>, window_params = [{transform_indices = @transform_0, window_bounds = array<i64: 2, 1024, 128>}, {transform_indices = @transform_1, window_bounds = array<i64: 1024, 128>}, {transform_indices = @transform_2, window_bounds = array<i64: 1024, 128>}, {transform_indices = @transform_3, window_bounds = array<i64: 1024, 128>}, {transform_indices = @transform_4, window_bounds = array<i64: 1024, 128>}]} {
    %get3A = arith.constant 0 : index
    %get3A_0 = arith.constant 0 : index
    %get3A_1 = arith.constant 0 : index
    %get3A_2 = vector.load %arg1[%get3A, %get3A_0, %get3A_1] : memref<2x1024x128xf32, #tpu.memory_space<vmem>>, vector<1x1024x1xf32>
    %get3A_3 = vector.shape_cast %get3A_2 : vector<1x1024x1xf32> to vector<1024x1xf32>
    %get3A_4 = arith.constant 1 : index
    %get3A_5 = arith.constant 0 : index
    %get3A_6 = arith.constant 0 : index
    %get3A_7 = vector.load %arg1[%get3A_4, %get3A_5, %get3A_6] : memref<2x1024x128xf32, #tpu.memory_space<vmem>>, vector<1x1024x1xf32>
    %get3A_8 = vector.shape_cast %get3A_7 : vector<1x1024x1xf32> to vector<1024x1xf32>
    %add3A = arith.addf %get3A_3, %get3A_8 : vector<1024x1xf32>
    %get3A_9 = arith.constant 0 : index
    %get3A_10 = arith.constant 0 : index
    %get3A_11 = arith.constant 64 : index
    %get3A_12 = vector.load %arg1[%get3A_9, %get3A_10, %get3A_11] : memref<2x1024x128xf32, #tpu.memory_space<vmem>>, vector<1x1024x1xf32>
    %get3A_13 = vector.shape_cast %get3A_12 : vector<1x1024x1xf32> to vector<1024x1xf32>
    %get3A_14 = arith.constant 1 : index
    %get3A_15 = arith.constant 0 : index
    %get3A_16 = arith.constant 64 : index
    %get3A_17 = vector.load %arg1[%get3A_14, %get3A_15, %get3A_16] : memref<2x1024x128xf32, #tpu.memory_space<vmem>>, vector<1x1024x1xf32>
    %get3A_18 = vector.shape_cast %get3A_17 : vector<1x1024x1xf32> to vector<1024x1xf32>
    %add3A_19 = arith.addf %get3A_13, %get3A_18 : vector<1024x1xf32>
    %max3A = arith.constant 1.000000e+00 : f32
    %max3A_20 = vector.broadcast %max3A : f32 to vector<1024x1xf32>
    %max3A_21 = arith.maximumf %add3A, %max3A_20 : vector<1024x1xf32>
    %rsqrt3A = math.rsqrt %max3A_21 : vector<1024x1xf32>
    %max3A_22 = arith.constant 1.000000e+00 : f32
    %max3A_23 = vector.broadcast %max3A_22 : f32 to vector<1024x1xf32>
    %max3A_24 = arith.maximumf %add3A_19, %max3A_23 : vector<1024x1xf32>
    %rsqrt3A_25 = math.rsqrt %max3A_24 : vector<1024x1xf32>
    %broadcast_in_dim3A = vector.shape_cast %rsqrt3A : vector<1024x1xf32> to vector<1024x1xf32>
    %broadcast_in_dim3A_26 = vector.broadcast %broadcast_in_dim3A : vector<1024x1xf32> to vector<1024x128xf32>
    %swap3A = arith.constant 0 : index
    %swap3A_27 = arith.constant 0 : index
    %swap3A_28 = vector.load %arg3[%swap3A, %swap3A_27] : memref<1024x128xf32, #tpu.memory_space<vmem>>, vector<1024x128xf32>
    tpu.vector_store %arg3[%swap3A, %swap3A_27], %broadcast_in_dim3A_26 {strides = array<i32>} : memref<1024x128xf32, #tpu.memory_space<vmem>>, vector<1024x128xf32>,
    %broadcast_in_dim3A_29 = vector.shape_cast %rsqrt3A_25 : vector<1024x1xf32> to vector<1024x1xf32>
    %broadcast_in_dim3A_30 = vector.broadcast %broadcast_in_dim3A_29 : vector<1024x1xf32> to vector<1024x128xf32>
    %swap3A_31 = arith.constant 0 : index
    %swap3A_32 = arith.constant 0 : index
    %swap3A_33 = vector.load %arg4[%swap3A_31, %swap3A_32] : memref<1024x128xf32, #tpu.memory_space<vmem>>, vector<1024x128xf32>
    tpu.vector_store %arg4[%swap3A_31, %swap3A_32], %broadcast_in_dim3A_30 {strides = array<i32>} : memref<1024x128xf32, #tpu.memory_space<vmem>>, vector<1024x128xf32>,
    %get3A_34 = arith.constant 0 : index
    %get3A_35 = arith.constant 0 : index
    %get3A_36 = vector.load %arg2[%get3A_34, %get3A_35] : memref<1024x128xf32, #tpu.memory_space<vmem>>, vector<1024x128xf32>
    %mul3A = vector.broadcast %rsqrt3A : vector<1024x1xf32> to vector<1024x128xf32>
    %mul3A_37 = arith.mulf %get3A_36, %mul3A : vector<1024x128xf32>
    %swap3A_38 = arith.constant 0 : index
    %swap3A_39 = arith.constant 0 : index
    %swap3A_40 = vector.load %arg5[%swap3A_38, %swap3A_39] : memref<1024x128xf32, #tpu.memory_space<vmem>>, vector<1024x128xf32>
    tpu.vector_store %arg5[%swap3A_38, %swap3A_39], %mul3A_37 {strides = array<i32>} : memref<1024x128xf32, #tpu.memory_space<vmem>>, vector<1024x128xf32>,
    return
  }
  func.func @transform_0(%arg0: i32) -> (i32, i32, i32) {
    %c0_i32 = arith.constant 0 : i32
    %c0_i32_0 = arith.constant 0 : i32
    %c0_i32_1 = arith.constant 0 : i32
    return %c0_i32, %arg0, %c0_i32_0 : i32, i32, i32
  }
  func.func @transform_1(%arg0: i32) -> (i32, i32) {
    %c0_i32 = arith.constant 0 : i32
    %c0_i32_0 = arith.constant 0 : i32
    return %arg0, %c0_i32 : i32, i32
  }
  func.func @transform_2(%arg0: i32) -> (i32, i32) {
    %c0_i32 = arith.constant 0 : i32
    %c0_i32_0 = arith.constant 0 : i32
    return %arg0, %c0_i32 : i32, i32
  }
  func.func @transform_3(%arg0: i32) -> (i32, i32) {
    %c0_i32 = arith.constant 0 : i32
    %c0_i32_0 = arith.constant 0 : i32
    return %arg0, %c0_i32 : i32, i32
  }
  func.func @transform_4(%arg0: i32) -> (i32, i32) {
    %c0_i32 = arith.constant 0 : i32
    %c0_i32_0 = arith.constant 0 : i32
    return %arg0, %c0_i32 : i32, i32
  }
}

module attributes {stable_mosaic.version = 14 : i64} {
  func.func @_dense_act_body(%arg0: i32, %arg1: memref<2x1024x128xf32, #tpu.memory_space<vmem>>, %arg2: memref<1024x128xf32, #tpu.memory_space<vmem>>, %arg3: memref<1024x128xf32, #tpu.memory_space<vmem>>, %arg4: memref<128x128xf32, #tpu.memory_space<vmem>>, %arg5: memref<1x128xf32, #tpu.memory_space<vmem>>, %arg6: memref<1024x128xf32, #tpu.memory_space<vmem>>) attributes {dimension_semantics = [#tpu.dimension_semantics<arbitrary>], iteration_bounds = array<i64: 10>, scalar_prefetch = 0 : i64, scratch_operands = 0 : i64, tpu.core_type = #tpu.core_type<tc>, window_params = [{transform_indices = @transform_0, window_bounds = array<i64: 2, 1024, 128>}, {transform_indices = @transform_1, window_bounds = array<i64: 1024, 128>}, {transform_indices = @transform_2, window_bounds = array<i64: 1024, 128>}, {pipeline_mode = #tpu.pipeline_mode<synchronous>, transform_indices = @transform_3, window_bounds = array<i64: 128, 128>}, {pipeline_mode = #tpu.pipeline_mode<synchronous>, transform_indices = @transform_4, window_bounds = array<i64: 1, 128>}, {transform_indices = @transform_5, window_bounds = array<i64: 1024, 128>}]} {
    %get3A = arith.constant 0 : index
    %get3A_0 = arith.constant 0 : index
    %get3A_1 = arith.constant 0 : index
    %get3A_2 = vector.load %arg1[%get3A, %get3A_0, %get3A_1] : memref<2x1024x128xf32, #tpu.memory_space<vmem>>, vector<1x1024x128xf32>
    %get3A_3 = vector.shape_cast %get3A_2 : vector<1x1024x128xf32> to vector<1024x128xf32>
    %get3A_4 = arith.constant 1 : index
    %get3A_5 = arith.constant 0 : index
    %get3A_6 = arith.constant 0 : index
    %get3A_7 = vector.load %arg1[%get3A_4, %get3A_5, %get3A_6] : memref<2x1024x128xf32, #tpu.memory_space<vmem>>, vector<1x1024x128xf32>
    %get3A_8 = vector.shape_cast %get3A_7 : vector<1x1024x128xf32> to vector<1024x128xf32>
    %add3A = arith.addf %get3A_3, %get3A_8 : vector<1024x128xf32>
    %get3A_9 = arith.constant 0 : index
    %get3A_10 = arith.constant 0 : index
    %get3A_11 = vector.load %arg2[%get3A_9, %get3A_10] : memref<1024x128xf32, #tpu.memory_space<vmem>>, vector<1024x128xf32>
    %mul3A = arith.mulf %add3A, %get3A_11 : vector<1024x128xf32>
    %get3A_12 = arith.constant 0 : index
    %get3A_13 = arith.constant 0 : index
    %get3A_14 = vector.load %arg4[%get3A_12, %get3A_13] : memref<128x128xf32, #tpu.memory_space<vmem>>, vector<128x128xf32>
    %dot_general3A = arith.constant dense<0.000000e+00> : vector<1024x128xf32>
    %dot_general3A_15 = tpu.matmul %mul3A, %get3A_14, %dot_general3A {dimension_numbers = #tpu.dot_dimension_numbers<[1], [0], [0], [1], [0, 0, 1, 1], [], []>, precision = #tpu.contract_precision<fp32>, transpose_lhs_hint = false} : vector<1024x128xf32>, vector<128x128xf32>, vector<1024x128xf32> -> vector<1024x128xf32>
    %get3A_16 = arith.constant 0 : index
    %get3A_17 = arith.constant 0 : index
    %get3A_18 = vector.load %arg5[%get3A_16, %get3A_17] : memref<1x128xf32, #tpu.memory_space<vmem>>, vector<1x128xf32>
    %add3A_19 = vector.broadcast %get3A_18 : vector<1x128xf32> to vector<1024x128xf32>
    %add3A_20 = arith.addf %dot_general3A_15, %add3A_19 : vector<1024x128xf32>
    %max3A = arith.constant 0.000000e+00 : f32
    %max3A_21 = vector.broadcast %max3A : f32 to vector<1024x128xf32>
    %max3A_22 = arith.maximumf %add3A_20, %max3A_21 : vector<1024x128xf32>
    %get3A_23 = arith.constant 0 : index
    %get3A_24 = arith.constant 0 : index
    %get3A_25 = vector.load %arg3[%get3A_23, %get3A_24] : memref<1024x128xf32, #tpu.memory_space<vmem>>, vector<1024x128xf32>
    %mul3A_26 = arith.mulf %max3A_22, %get3A_25 : vector<1024x128xf32>
    %swap3A = arith.constant 0 : index
    %swap3A_27 = arith.constant 0 : index
    %swap3A_28 = vector.load %arg6[%swap3A, %swap3A_27] : memref<1024x128xf32, #tpu.memory_space<vmem>>, vector<1024x128xf32>
    tpu.vector_store %arg6[%swap3A, %swap3A_27], %mul3A_26 {strides = array<i32>} : memref<1024x128xf32, #tpu.memory_space<vmem>>, vector<1024x128xf32>,
    return
  }
  func.func @transform_0(%arg0: i32) -> (i32, i32, i32) {
    %c0_i32 = arith.constant 0 : i32
    %c0_i32_0 = arith.constant 0 : i32
    %c0_i32_1 = arith.constant 0 : i32
    return %c0_i32, %arg0, %c0_i32_0 : i32, i32, i32
  }
  func.func @transform_1(%arg0: i32) -> (i32, i32) {
    %c0_i32 = arith.constant 0 : i32
    %c0_i32_0 = arith.constant 0 : i32
    return %arg0, %c0_i32 : i32, i32
  }
  func.func @transform_2(%arg0: i32) -> (i32, i32) {
    %c0_i32 = arith.constant 0 : i32
    %c0_i32_0 = arith.constant 0 : i32
    return %arg0, %c0_i32 : i32, i32
  }
  func.func @transform_3(%arg0: i32) -> (i32, i32) {
    %c0_i32 = arith.constant 0 : i32
    %c0_i32_0 = arith.constant 0 : i32
    %c0_i32_1 = arith.constant 0 : i32
    return %c0_i32, %c0_i32_0 : i32, i32
  }
  func.func @transform_4(%arg0: i32) -> (i32, i32) {
    %c0_i32 = arith.constant 0 : i32
    %c0_i32_0 = arith.constant 0 : i32
    %c0_i32_1 = arith.constant 0 : i32
    return %c0_i32, %c0_i32_0 : i32, i32
  }
  func.func @transform_5(%arg0: i32) -> (i32, i32) {
    %c0_i32 = arith.constant 0 : i32
    %c0_i32_0 = arith.constant 0 : i32
    return %arg0, %c0_i32 : i32, i32
  }
}

module attributes {stable_mosaic.version = 14 : i64} {
  func.func @_dense_last_body(%arg0: i32, %arg1: memref<2x1024x128xf32, #tpu.memory_space<vmem>>, %arg2: memref<1024x128xf32, #tpu.memory_space<vmem>>, %arg3: memref<128x128xf32, #tpu.memory_space<vmem>>, %arg4: memref<1x128xf32, #tpu.memory_space<vmem>>, %arg5: memref<1024x128xf32, #tpu.memory_space<vmem>>) attributes {dimension_semantics = [#tpu.dimension_semantics<arbitrary>], iteration_bounds = array<i64: 10>, scalar_prefetch = 0 : i64, scratch_operands = 0 : i64, tpu.core_type = #tpu.core_type<tc>, window_params = [{transform_indices = @transform_0, window_bounds = array<i64: 2, 1024, 128>}, {transform_indices = @transform_1, window_bounds = array<i64: 1024, 128>}, {pipeline_mode = #tpu.pipeline_mode<synchronous>, transform_indices = @transform_2, window_bounds = array<i64: 128, 128>}, {pipeline_mode = #tpu.pipeline_mode<synchronous>, transform_indices = @transform_3, window_bounds = array<i64: 1, 128>}, {transform_indices = @transform_4, window_bounds = array<i64: 1024, 128>}]} {
    %get3A = arith.constant 0 : index
    %get3A_0 = arith.constant 0 : index
    %get3A_1 = arith.constant 0 : index
    %get3A_2 = vector.load %arg1[%get3A, %get3A_0, %get3A_1] : memref<2x1024x128xf32, #tpu.memory_space<vmem>>, vector<1x1024x128xf32>
    %get3A_3 = vector.shape_cast %get3A_2 : vector<1x1024x128xf32> to vector<1024x128xf32>
    %get3A_4 = arith.constant 1 : index
    %get3A_5 = arith.constant 0 : index
    %get3A_6 = arith.constant 0 : index
    %get3A_7 = vector.load %arg1[%get3A_4, %get3A_5, %get3A_6] : memref<2x1024x128xf32, #tpu.memory_space<vmem>>, vector<1x1024x128xf32>
    %get3A_8 = vector.shape_cast %get3A_7 : vector<1x1024x128xf32> to vector<1024x128xf32>
    %add3A = arith.addf %get3A_3, %get3A_8 : vector<1024x128xf32>
    %get3A_9 = arith.constant 0 : index
    %get3A_10 = arith.constant 0 : index
    %get3A_11 = vector.load %arg2[%get3A_9, %get3A_10] : memref<1024x128xf32, #tpu.memory_space<vmem>>, vector<1024x128xf32>
    %mul3A = arith.mulf %add3A, %get3A_11 : vector<1024x128xf32>
    %get3A_12 = arith.constant 0 : index
    %get3A_13 = arith.constant 0 : index
    %get3A_14 = vector.load %arg3[%get3A_12, %get3A_13] : memref<128x128xf32, #tpu.memory_space<vmem>>, vector<128x128xf32>
    %dot_general3A = arith.constant dense<0.000000e+00> : vector<1024x128xf32>
    %dot_general3A_15 = tpu.matmul %mul3A, %get3A_14, %dot_general3A {dimension_numbers = #tpu.dot_dimension_numbers<[1], [0], [0], [1], [0, 0, 1, 1], [], []>, precision = #tpu.contract_precision<fp32>, transpose_lhs_hint = false} : vector<1024x128xf32>, vector<128x128xf32>, vector<1024x128xf32> -> vector<1024x128xf32>
    %get3A_16 = arith.constant 0 : index
    %get3A_17 = arith.constant 0 : index
    %get3A_18 = vector.load %arg4[%get3A_16, %get3A_17] : memref<1x128xf32, #tpu.memory_space<vmem>>, vector<1x128xf32>
    %add3A_19 = vector.broadcast %get3A_18 : vector<1x128xf32> to vector<1024x128xf32>
    %add3A_20 = arith.addf %dot_general3A_15, %add3A_19 : vector<1024x128xf32>
    %swap3A = arith.constant 0 : index
    %swap3A_21 = arith.constant 0 : index
    %swap3A_22 = vector.load %arg5[%swap3A, %swap3A_21] : memref<1024x128xf32, #tpu.memory_space<vmem>>, vector<1024x128xf32>
    tpu.vector_store %arg5[%swap3A, %swap3A_21], %add3A_20 {strides = array<i32>} : memref<1024x128xf32, #tpu.memory_space<vmem>>, vector<1024x128xf32>,
    return
  }
  func.func @transform_0(%arg0: i32) -> (i32, i32, i32) {
    %c0_i32 = arith.constant 0 : i32
    %c0_i32_0 = arith.constant 0 : i32
    %c0_i32_1 = arith.constant 0 : i32
    return %c0_i32, %arg0, %c0_i32_0 : i32, i32, i32
  }
  func.func @transform_1(%arg0: i32) -> (i32, i32) {
    %c0_i32 = arith.constant 0 : i32
    %c0_i32_0 = arith.constant 0 : i32
    return %arg0, %c0_i32 : i32, i32
  }
  func.func @transform_2(%arg0: i32) -> (i32, i32) {
    %c0_i32 = arith.constant 0 : i32
    %c0_i32_0 = arith.constant 0 : i32
    %c0_i32_1 = arith.constant 0 : i32
    return %c0_i32, %c0_i32_0 : i32, i32
  }
  func.func @transform_3(%arg0: i32) -> (i32, i32) {
    %c0_i32 = arith.constant 0 : i32
    %c0_i32_0 = arith.constant 0 : i32
    %c0_i32_1 = arith.constant 0 : i32
    return %c0_i32, %c0_i32_0 : i32, i32
  }
  func.func @transform_4(%arg0: i32) -> (i32, i32) {
    %c0_i32 = arith.constant 0 : i32
    %c0_i32_0 = arith.constant 0 : i32
    return %arg0, %c0_i32 : i32, i32
  }
}

</mosaic_0001>

<sc_bundles>
// kernel: kernel.10.cloned.1.call-start
scs
__scs_entry_jumppad:
0x0: {  	(pc) =	sbr.rel $0x88, $3  }
0x1: {  	(tag) =	ssettag $0x0;
	lr =	simm.s32 $0x1  }
0x2: {  	[smem:$0x3F99] =	sst lr;
	_ =	strace $0xD0000000  }
0x3: {  	_ = 	snop  }
0x4: {  	_ = 	snop  }
0x5: {  	_ = 	snop  }
0x6: {  	_ = 	snop  }
0x7: {  	_ = 	snop  }
__scs_overlays_trampoline_lowered:
0x8: {  	[smem:$0x3FA8] =	sst s0  }
0x9: {  	[smem:$0x3FA9] =	sst s1  }
0xa: {  	[smem:$0x3FAA] =	sst s2  }
0xb: {  	[smem:$0x3FAB] =	sst s3  }
0xc: {  	[smem:$0x3FAC] =	sst s4  }
0xd: {  	[smem:$0x3FAD] =	sst s5  }
0xe: {  	[smem:$0x3FAE] =	sst s6  }
0xf: {  	[smem:$0x3FAF] =	sst s7  }
0x10: {  	[smem:$0x3FB0] =	sst s8  }
0x11: {  	[smem:$0x3FB1] =	sst s9;
	s0 =	simm.s32 @!p0 $0x0  }
0x12: {  	s1 =	sld [smem:$0x3F97];
	s0 =	simm.s32 @p0 $0x1  }
0x13: {  	[smem:$0x3FB2] =	sst s0;
	s0 =	simm.s32 @!p1 $0x0  }
0x14: {  	s2 =	sld [smem:$0x3F96];
	s0 =	simm.s32 @p1 $0x1  }
0x15: {  	[smem:$0x3FB3] =	sst s0;
	s0 =	simm.s32 @!p2 $0x0  }
0x16: {  	s3 =	sld [smem:$0x3FDB];
	s0 =	simm.s32 @p2 $0x1  }
0x17: {  	s4 =	simm.s32 $0x1BF5;
	[smem:$0x3FB5] =	sst s0  }
0x18: {  	s0 =	sld [smem:$0x3F98];
	_ =	swait.ge [sflag:s4], $0x0  }
0x19: {  	s7 =	sld [smem:$0x3F99]  }
0x1a: {  	s8 =	sadd.s32 $0xFFFFE003, lr  }
0x1b: {  	s9 =	sadd.s32 $0xFFFFFEF7, lr;
	s5 =	simm.s32 $0xFFFFFFFF;
	p2 =	slt.u32 s8, $0xFFFFF086  }
0x1c: {  	p1 =	slt.u32 s9, $0xF7A;
	s5 =	simm.s32 @!p2 $0x0  }
0x1d: {  	s5 =	simm.s32 @p1 $0x1;
	p0 =	seq.s32 s7, s2  }
0x1e: {  	s7 =	smul.u32 @!p0 $0xF7A, s2;
	p2 =	seq.s32 @!p0 s5, $0x0  }
0x1f: {  	s9 =	smul.u32 $0xF7A, s1;
	s8 =	simm.s32 @!p0 $0x1BF5;
	p2 =	por !p2, p0  }
0x20: {  	[sflag:s8] =	ssyncset.s32 @!p0 $0xFFFFF086;
	s6 =	sadd.s32 @!p0 s3, s7;
	s7 =	simm.s32 @!p0 $0x108  }
0x21: {  	s3 =	sadd.s32 s3, s9;
	s6 =	sadd.s32 @!p0 $0x88, s6;
	s7 =	simm.s32 @p2 $0x1082  }
0x22: {  	[simem:s7], [sflag:s8] =	dma.local @!p0 [hbm:s6], $0xF7A  }
0x23: {  	s9 =	sor.u32 $0xD0000000, s2;
	s6 =	simm.s32 $0x108;
	_ =	swait.ge @!p0 [sflag:s8], $0x0  }
0x24: {  	s3 =	sadd.s32 $0x88, s3;
	s6 =	simm.s32 @!p1 $0x1082;
	[sflag:s4] =	ssyncset.s32 $0xFFFFF086  }
0x25: {  	[simem:s6], [sflag:s4] =	dma.local [hbm:s3], $0xF7A  }
0x26: {  	[smem:$0x3F99] =	sst s1;
	(tag) =	ssettag s2;
	_ =	strace s9  }
0x27: {  	s1 =	sld [smem:$0x3FA9]  }
0x28: {  	s2 =	sld [smem:$0x3FAA]  }
0x29: {  	s4 =	sld [smem:$0x3FAC]  }
0x2a: {  	p0 =	seq.s32 s5, $0x0;
	s5 =	sld [smem:$0x3FAD]  }
0x2b: {  	s6 =	sld [smem:$0x3FAE]  }
0x2c: {  	s7 =	sld [smem:$0x3FAF]  }
0x2d: {  	s3 =	simm.s32 $0x108;
	s8 =	sld [smem:$0x3FB0]  }
0x2e: {  	s3 =	simm.s32 @!p0 $0x1082;
	s9 =	sld [smem:$0x3FB1]  }
0x2f: {  	lr =	sadd.s32 s0, s3;
	s0 =	sld [smem:$0x3FA8]  }
0x30: {  	s3 =	sld [smem:$0x3FAB]  }
0x31: {  	[smem:$0x3FB4] =	sst s10  }
0x32: {  	s10 =	sld [smem:$0x3FB2];
	_ =	sdelay $0x3  }
0x33: {  	p0 =	seq.s32 s10, $0x1;
	s10 =	sld [smem:$0x3FB4];
	_ =	sdelay $0x3  }
0x34: {  	[smem:$0x3FB4] =	sst s10  }
0x35: {  	s10 =	sld [smem:$0x3FB3];
	_ =	sdelay $0x3  }
0x36: {  	p1 =	seq.s32 s10, $0x1;
	s10 =	sld [smem:$0x3FB4];
	_ =	sdelay $0x3  }
0x37: {  	[smem:$0x3FB4] =	sst s10  }
0x38: {  	s10 =	sld [smem:$0x3FB5]  }
0x39: {  	_ = 	snop;
	(pc) =	sbr.ind lr, $3  }
0x3a: {  	_ = 	snop  }
0x3b: {  	_ = 	snop  }
0x3c: {  	p2 =	seq.s32 s10, $0x1;
	s10 =	sld [smem:$0x3FB4]  }
0x3d: {  	_ =	shalt  }
0x3e: {  	_ =	shalt  }
0x3f: {  	_ =	shalt  }
0x40: {  	_ =	shalt  }
0x41: {  	_ =	shalt  }
0x42: {  	_ =	shalt  }
0x43: {  	_ =	shalt  }
0x44: {  	_ =	shalt  }
0x45: {  	_ =	shalt  }
0x46: {  	_ =	shalt  }
0x47: {  	_ =	shalt  }
0x48: {  	_ =	shalt  }
0x49: {  	_ =	shalt  }
0x4a: {  	_ =	shalt  }
0x4b: {  	_ =	shalt  }
0x4c: {  	_ =	shalt  }
0x4d: {  	_ =	shalt  }
0x4e: {  	_ =	shalt  }
0x4f: {  	_ =	shalt  }
0x50: {  	_ =	shalt  }
0x51: {  	_ =	shalt  }
0x52: {  	_ =	shalt  }
0x53: {  	_ =	shalt  }
0x54: {  	_ =	shalt  }
0x55: {  	_ =	shalt  }
0x56: {  	_ =	shalt  }
0x57: {  	_ =	shalt  }
0x58: {  	_ =	shalt  }
0x59: {  	_ =	shalt  }
0x5a: {  	_ =	shalt  }
0x5b: {  	_ =	shalt  }
0x5c: {  	_ =	shalt  }
0x5d: {  	_ =	shalt  }
0x5e: {  	_ =	shalt  }
0x5f: {  	_ =	shalt  }
0x60: {  	_ =	shalt  }
0x61: {  	_ =	shalt  }
0x62: {  	_ =	shalt  }
0x63: {  	_ =	shalt  }
0x64: {  	_ =	shalt  }
0x65: {  	_ =	shalt  }
0x66: {  	_ =	shalt  }
0x67: {  	_ =	shalt  }
0x68: {  	_ =	shalt  }
0x69: {  	_ =	shalt  }
0x6a: {  	_ =	shalt  }
0x6b: {  	_ =	shalt  }
0x6c: {  	_ =	shalt  }
0x6d: {  	_ =	shalt  }
0x6e: {  	_ =	shalt  }
0x6f: {  	_ =	shalt  }
0x70: {  	_ =	shalt  }
0x71: {  	_ =	shalt  }
0x72: {  	_ =	shalt  }
0x73: {  	_ =	shalt  }
0x74: {  	_ =	shalt  }
0x75: {  	_ =	shalt  }
0x76: {  	_ =	shalt  }
0x77: {  	_ =	shalt  }
0x78: {  	_ =	shalt  }
0x79: {  	_ =	shalt  }
0x7a: {  	_ =	shalt  }
0x7b: {  	_ =	shalt  }
0x7c: {  	_ =	shalt  }
0x7d: {  	_ =	shalt  }
0x7e: {  	_ =	shalt  }
0x7f: {  	_ =	shalt  }
0x80: {  	_ =	shalt  }
0x81: {  	_ =	shalt  }
0x82: {  	_ =	shalt  }
0x83: {  	_ =	shalt  }
0x84: {  	_ =	shalt  }
0x85: {  	_ =	shalt  }
0x86: {  	_ =	shalt  }
0x87: {  	_ =	shalt  }
.Lfunc_end0:
.L_simem_size_0:
called_computation_lowered:
.L_overlay_start_0:
0x88: {  	s2 =	sld [smem:$0x3FD9]  }
0x89: {  	s3 =	sld [smem:$0x3FFE];
	_ =	sdelay $0x1  }
0x8a: {  	s1 =	srdreg.scid  }
0x8b: {  	s0 =	sand.u32 $0x1, s1  }
0x8c: {  	s17 =	sshll.u32 s0, $0xA;
	s2 =	sadd.s32 s3, s2  }
0x8d: {  	s2 =	sadd.s32 s2, s17  }
0x8e: {  	[smem:$0x3FC0] =	sst s2  }
0x8f: {  	_ = 	snop  }
0x90: {  	s2 =	sld [smem:$0x3FD0];
	(tm) =	ssettm $0x1  }
0x91: {  	s18 =	sld [smem:$0x3FFB];
	_ =	sdelay $0x3  }
0x92: {  	_ =	strace s18  }
0x93: {  	s3 =	sld [smem:$0x3FFC];
	_ =	sdelay $0x3  }
0x94: {  	_ =	strace s3  }
0x95: {  	s3 =	sld [smem:$0x3FFD];
	_ =	sdelay $0x3  }
0x96: {  	_ =	strace s3  }
0x97: {  	_ =	strace $0x8FFFFFFF  }
0x98: {  	s19 =	sld [smem:$0x3FDB];
	_ =	sdelay $0x1  }
0x99: {  	s4 =	simm.s32 $_scs_section_size  }
0x9a: {  	s5 =	simm.s32 $_size__tile_overlayer_lowered;
	s6 =	simm.s32 $_tile_overlayer_lowered  }
0x9b: {  	s22 =	simm.s32 $0x1BFF;
	s21 =	sshll.u32 s6, $0x1;
	s3 =	sadd.s32 s4, s19  }
0x9c: {  	s7 =	simm.s32 $0x0;
	s20 =	sshll.u32 s5, $0x1;
	s5 =	sadd.s32 s21, s3  }
0x9d: {  	[timem:s7], [sflag:s22] =	dma.local [hbm:s5], s20  }
0x9e: {  	_ =	swait.ge [sflag:s22], s20  }
0x9f: {  	s4 =	ssub.s32 $0x0, s20;
	[sflag:s22] =	ssyncset.done $0x0  }
0xa0: {  	[sflag:s22] =	ssyncadd.s32 s4;
	_ =	sdelay $0x1  }
0xa1: {  	s23 =	simm.s32 $0x1B8B  }
0xa2: {  	_ =	swait.ge [sflag:s23], $0x1  }
0xa3: {  	[sflag:s23] =	ssyncset.done $0x0  }
0xa4: {  	s25 =	simm.s32 $0x1B8E;
	s24 =	sld [smem:$0x3FFE];
	[sflag:s23] =	ssyncadd.s32 $0xFFFFFFFF  }
0xa5: {  	s26 =	simm.s32 $execute0_lowered;
	[smem:$0x3FD2] =	sst s25  }
0xa6: {  	s5 =	sshll.u32 s26, $0x1;
	_ =	strace $0x80000046;
	[dreg:$0x1] =	wrdreg $0xFFFFFFFF  }
0xa7: {  	s28 =	simm.s32 $_size_execute0_lowered;
	s3 =	sadd.s32 s3, s5;
	[dreg:$0x0] =	wrdreg $0x0  }
0xa8: {  	s5 =	sshll.u32 s28, $0x1;
	[dreg:$0x2] =	wrdreg s3  }
0xa9: {  	[dreg:$0x3] =	wrdreg s5  }
0xaa: {  	[dreg:$0x4] =	wrdreg $0xC0  }
0xab: {  	_ =	task [dreg:s7], $0x5FFFF  }
0xac: {  	[dreg:$0x1] =	wrdreg $0xFFFFFFFF  }
0xad: {  	[dreg:$0x0] =	wrdreg $0x60  }
0xae: {  	[dreg:$0x2] =	wrdreg s24  }
0xaf: {  	[dreg:$0x3] =	wrdreg s2  }
0xb0: {  	[dreg:$0x4] =	wrdreg $0x0  }
0xb1: {  	[dreg:$0x5] =	wrdreg $0x9  }
0xb2: {  	_ =	task.clear_ibuf [dreg:s7], $0x6FFFF;
	_ =	strace $0x90000046  }
0xb3: {  	s29 =	simm.s32 $0x9;
	_ =	strace $0x80000048  }
0xb4: {  	_ =	swait.ge [sflag:s29], $0x1  }
0xb5: {  	[sflag:s29] =	ssyncadd.s32 $0xFFFFFFFF  }
0xb6: {  	_ =	strace $0x90000048  }
0xb7: {  	_ =	sfence  }
0xb8: {  	s30 =	sld [smem:$0x0];
	_ =	sdelay $0x2  }
0xb9: {  	s31 =	sshll.u32 s1, $0xD;
	s1 =	sshrl.u32 s1, $0x2  }
0xba: {  	s3 =	sand.u32 $0x4000, s31;
	s1 =	sadd.s32 s1, s30  }
0xbb: {  	s0 =	sor.u32 s3, s0;
	s1 =	sshll.u32 s1, $0x11  }
0xbc: {  	s0 =	sor.u32 s1, s0  }
0xbd: {  	s0 =	sadd.s32 $0x8F2B, s0  }
0xbe: {  	[sflag:s0] =	ssyncadd.remote.s32 $0x1  }
0xbf: {  	_ =	sfence.sel $0xFFFF  }
0xc0: {  	[dreg:$0x0] =	wrdreg $0xFFFFFFFF;
	(pc) =	sbr.abs _section_cstart, $3  }
0xc1: {  	[dreg:$0x1] =	wrdreg $0xFFFFFFFF  }
0xc2: {  	_ =	task.clear_ibuf [dreg:s7], $0x2FFFF;
	_ =	strace $0x9FFFFFFF  }
0xc3: {  	(tm) =	ssettm $0x7FFFFFFF  }
tec
execute0_lowered:
.L_overlay_start_1:
0x0: {  	(tag) =	ssettag $0x1  }
0x1: {  	s7 =	rddreg [dreg:$0x0]  }
0x2: {  	s9 =	rddreg [dreg:$0x1]  }
0x3: {  	s0 =	srdreg.scid;
	s1 =	rddreg [dreg:$0x2]  }
0x4: {  	s3 =	simm.s32 $0x0;
	s2 =	stileid.u32;
	s16 =	simm.s32 $0x1C000  }
0x5: {  	s17 =	simm.s32 $0x1C080;
	s18 =	simm.s32 $0x80;
	s6 =	smul.u32 $0x14000, s2  }
0x6: {  	s8 =	sand.u32 $0x1, s0;
	s0 =	rddreg [dreg:$0x3];
	s13 =	smul.u32 $0x50000, s2  }
0x7: {  	s19 =	simm.s32 $0x0;
	[smem:$0x7FF] =	sst s3;
	s14 =	smul.u32 $0x500, s2  }
0x8: {  	s4 =	sadd.s32 $0xD800, s7;
	s31 =	sshll.u32 s2, $0x6;
	s10 =	smul.u32 $0x5000, s8  }
0x9: {  	s5 =	smul.u32 $0x140000, s8;
	_ =	strace $0x80000047;
	s8 =	ssub.s32 $0x2, s8  }
0xa: {  	s29 =	sshrl.u32 s8, $0x1;
	s13 =	sshrl.u32 s13, $0x2;
	s11 =	sadd.s32 s10, s7  }
0xb: {  	s6 =	sadd.s32 s6, s5;
	s5 =	sadd.s32 $0xD000, s7;
	s8 =	ssub.s32 s8, s29  }
0xc: {  	s15 =	sadd.s32 s13, s1;
	s9 =	sadd.s32 s10, s9;
	s13 =	simm.s32 $0x18000  }
0xd: {  	s12 =	sshrl.u32 s6, $0x3;
	s6 =	sadd.s32 $0xE000, s7;
	s8 =	smax.u32 s8, $0x1  }
0xe: {  	s30 =	sadd.s32 s14, s11;
	s9 =	sadd.s32 s14, s9;
	s11 =	simm.s32 $0x14000  }
0xf: {  	s14 =	sor.u32 $0x1C01, s31;
	s15 =	sshrl.u32 s15, $0x3;
	s7 =	sadd.s32 s12, s7  }
0x10: {  	s10 =	sadd.s32 $0x3000, s30;
	s12 =	simm.s32 $0x1;
	s7 =	sadd.s32 $0x10800, s7  }
.LBB2_1:
0x11: {  	[tilespmem:s11], [sflag:$0x1] =	stream.linear.gather [hbm4b:s4+s3], $0x4000, $0x38;
	[tilespmem:$0x1C100] =	vst v63  }
0x12: {  	_ =	swait.ge [sflag:s12], $0x4000  }
0x13: {  	[sflag:s12] =	ssyncset.done $0x0  }
0x14: {  	[sflag:s12] =	ssyncadd.s32 $0xFFFFC000  }
0x15: {  	[tilespmem:s13], [sflag:$0x1] =	stream.linear.gather [hbm4b:s5+s3], $0x4000, $0x38;
	[tilespmem:$0x1C100] =	vst v63  }
0x16: {  	_ =	swait.ge [sflag:s12], $0x4000  }
0x17: {  	[sflag:s12] =	ssyncset.done $0x0  }
0x18: {  	[sflag:s12] =	ssyncadd.s32 $0xFFFFC000  }
0x19: {  	[spmem:s15], [sflag:s14] =	dma.local [hbm:s6], $0x2800  }
0x1a: {  	_ =	swait.ge [sflag:s12], $0x2800  }
0x1b: {  	[sflag:s12] =	ssyncset.done $0x0  }
0x1c: {  	[sflag:s12] =	ssyncadd.s32 $0xFFFFD800  }
0x1d: {  	s20 =	sadd.s32 $0x0, s10;
	[bflag:$0x0] =	sbarrier.arrive $0xFFFF  }
0x1e: {  	[tilespmem:s16], [sflag:$0x1] =	stream.linear.gather [hbm4b:s20+s3], $0x80, $0x38;
	[tilespmem:$0x1C100] =	vst v63  }
0x1f: {  	_ =	swait.ge [sflag:s12], $0x80  }
0x20: {  	[sflag:s12] =	ssyncset.done $0x0  }
0x21: {  	s31 =	sadd.s32 $0x0, s9;
	[sflag:s12] =	ssyncadd.s32 $0xFFFFFF80  }
0x22: {  	[tilespmem:s17], [sflag:$0x1] =	stream.linear.gather [hbm4b:s31+s3], $0x80, $0x38;
	[tilespmem:$0x1C100] =	vst v63  }
0x23: {  	_ =	swait.ge [sflag:s12], $0x80  }
0x24: {  	[sflag:s12] =	ssyncset.done $0x0  }
0x25: {  	[sflag:s12] =	ssyncadd.s32 $0xFFFFFF80  }
0x26: {  	[spmem:s1] =	stream.indirect.scatter.add.f32 [tilespmem:s11], [sflag:$0x1], $0x80, s16, s18, $0xb8;
	[tilespmem:$0x1C100] =	vst v63  }
0x27: {  	_ =	swait.ge [sflag:s12], $0x4000  }
0x28: {  	[sflag:s12] =	ssyncset.done $0x0  }
0x29: {  	[sflag:s12] =	ssyncadd.s32 $0xFFFFC000  }
0x2a: {  	[spmem:s1] =	stream.indirect.scatter.add.f32 [tilespmem:s13], [sflag:$0x1], $0x80, s17, s18, $0xb8;
	[tilespmem:$0x1C100] =	vst v63  }
0x2b: {  	_ =	swait.ge [sflag:s12], $0x4000  }
0x2c: {  	s21 =	simm.s32 $0x20;
	s20 =	simm.s32 $0x10;
	[sflag:s12] =	ssyncset.done $0x0  }
.LBB2_2:
0x2d: {  	s22 =	sadd.s32 s20, s10  }
0x2e: {  	[sflag:s12] =	ssyncadd.s32 $0xFFFFC000;
	s23 =	smov.u32 s21;
	s24 =	sadd.s32 $0x10, s21  }
0x2f: {  	[tilespmem:s16], [sflag:$0x1] =	stream.linear.gather [hbm4b:s22+s3], $0x80, $0x38;
	[tilespmem:$0x1C100] =	vst v63  }
0x30: {  	p0 =	sne.s32 s21, $0x4F0;
	_ =	swait.ge [sflag:s12], $0x80  }
0x31: {  	[sflag:s12] =	ssyncset.done $0x0  }
0x32: {  	s21 =	sadd.s32 s20, s9;
	s20 =	smov.u32 s23;
	[sflag:s12] =	ssyncadd.s32 $0xFFFFFF80  }
0x33: {  	[tilespmem:s17], [sflag:$0x1] =	stream.linear.gather [hbm4b:s21+s3], $0x80, $0x38;
	[tilespmem:$0x1C100] =	vst v63  }
0x34: {  	_ =	swait.ge [sflag:s12], $0x80  }
0x35: {  	[sflag:s12] =	ssyncset.done $0x0  }
0x36: {  	[sflag:s12] =	ssyncadd.s32 $0xFFFFFF80  }
0x37: {  	[spmem:s1] =	stream.indirect.scatter.add.f32 [tilespmem:s11], [sflag:$0x1], $0x80, s16, s18, $0xb8;
	[tilespmem:$0x1C100] =	vst v63  }
0x38: {  	_ =	swait.ge [sflag:s12], $0x4000  }
.Ltmp0:
0x39: {  	[sflag:s12] =	ssyncset.done $0x0;
	(pc) =	sbr.rel @p0 .LBB2_2-.Ltmp0, $4  }
0x3a: {  	[sflag:s12] =	ssyncadd.s32 $0xFFFFC000  }
0x3b: {  	[spmem:s1] =	stream.indirect.scatter.add.f32 [tilespmem:s13], [sflag:$0x1], $0x80, s17, s18, $0xb8;
	[tilespmem:$0x1C100] =	vst v63  }
0x3c: {  	_ =	swait.ge [sflag:s12], $0x4000  }
0x3d: {  	s21 =	smov.u32 s24;
	[sflag:s12] =	ssyncset.done $0x0  }
0x3e: {  	s21 =	sadd.s32 s20, s10;
	[sflag:s12] =	ssyncadd.s32 $0xFFFFC000  }
0x3f: {  	[tilespmem:s16], [sflag:$0x1] =	stream.linear.gather [hbm4b:s21+s3], $0x80, $0x38;
	[tilespmem:$0x1C100] =	vst v63  }
0x40: {  	_ =	swait.ge [sflag:s12], $0x80  }
0x41: {  	[sflag:s12] =	ssyncset.done $0x0  }
0x42: {  	s31 =	sadd.s32 s20, s9;
	[sflag:s12] =	ssyncadd.s32 $0xFFFFFF80  }
0x43: {  	[tilespmem:s17], [sflag:$0x1] =	stream.linear.gather [hbm4b:s31+s3], $0x80, $0x38;
	[tilespmem:$0x1C100] =	vst v63  }
0x44: {  	_ =	swait.ge [sflag:s12], $0x80  }
0x45: {  	[sflag:s12] =	ssyncset.done $0x0  }
0x46: {  	[sflag:s12] =	ssyncadd.s32 $0xFFFFFF80  }
0x47: {  	[spmem:s1] =	stream.indirect.scatter.add.f32 [tilespmem:s11], [sflag:$0x1], $0x80, s16, s18, $0xb8;
	[tilespmem:$0x1C100] =	vst v63  }
0x48: {  	_ =	swait.ge [sflag:s12], $0x4000  }
0x49: {  	[sflag:s12] =	ssyncset.done $0x0  }
0x4a: {  	[sflag:s12] =	ssyncadd.s32 $0xFFFFC000  }
0x4b: {  	[spmem:s1] =	stream.indirect.scatter.add.f32 [tilespmem:s13], [sflag:$0x1], $0x80, s17, s18, $0xb8;
	[tilespmem:$0x1C100] =	vst v63  }
0x4c: {  	_ =	swait.ge [sflag:s12], $0x4000  }
0x4d: {  	s19 =	sadd.s32 $0x1, s19;
	[sflag:s12] =	ssyncset.done $0x0  }
0x4e: {  	p0 =	sne.s32 s19, s8;
	[sflag:s12] =	ssyncadd.s32 $0xFFFFC000  }
.Ltmp1:
0x4f: {  	[bflag:$0x0] =	sbarrier.arrive $0xFFFF;
	(pc) =	sbr.rel @p0 .LBB2_1-.Ltmp1, $4  }
0x50: {  	[hbm:s7], [sflag:s14] =	dma.local [spmem:s15], $0x2800  }
0x51: {  	_ =	swait.ge [sflag:s12], $0x2800  }
0x52: {  	[sflag:s12] =	ssyncset.done $0x0  }
0x53: {  	[sflag:s12] =	ssyncadd.s32 $0xFFFFD800  }
0x54: {  	_ =	sfence.sel $0x180000  }
0x55: {  	[bflag:$0x0] =	sbarrier.arrive $0xFFFF  }
0x56: {  	p0 =	sne.s32 s2, $0x0;
	_ =	strace $0x90000047  }
0x57: {  	s0 =	sadd.s32 @!p0 $0x100000, s0;
	[bflag:$0x2] =	sbarrier.arrive $0xFFFF  }
0x58: {  	[sflag:s0] =	ssyncadd.tile.s32 @!p0 $0x1;
	_ =	shalt  }
.Lfunc_end2:
_tile_overlayer_lowered:
.L_overlay_start_2:
0x59: {  	(tag) =	ssettag $0x2  }
0x5a: {  	s0 =	rddreg [dreg:$0x0];
	s2 =	stileid.u32  }
0x5b: {  	s1 =	rddreg [dreg:$0x1];
	p0 =	sne.s32 s2, $0x0  }
0x5c: {  	s3 =	rddreg [dreg:$0x2];
	[bflag:$0x3] =	sbarrier.arrive $0xFFFF;
	s2 =	simm.s32 @!p0 $0x1C01  }
0x5d: {  	[timem:s3], [sflag:s2] =	dma.local @!p0 [hbm:s0], s1  }
0x5e: {  	s0 =	simm.s32 @!p0 $0x1  }
0x5f: {  	_ =	swait.ge @!p0 [sflag:s0], s1  }
0x60: {  	s1 =	ssub.s32 @!p0 $0x0, s1;
	[sflag:s0] =	ssyncset.done @!p0 $0x0  }
0x61: {  	[sflag:s0] =	ssyncadd.s32 @!p0 s1  }
0x62: {  	[bflag:$0x3] =	sbarrier.arrive $0xFFFF  }
0x63: {  	_ =	shalt  }

// kernel: kernel.13.cloned.1.call-start
scs
__scs_entry_jumppad:
0x0: {  	(pc) =	sbr.rel $0x88, $3  }
0x1: {  	(tag) =	ssettag $0x0;
	lr =	simm.s32 $0x1  }
0x2: {  	[smem:$0x3F99] =	sst lr;
	_ =	strace $0xD0000000  }
0x3: {  	_ = 	snop  }
0x4: {  	_ = 	snop  }
0x5: {  	_ = 	snop  }
0x6: {  	_ = 	snop  }
0x7: {  	_ = 	snop  }
__scs_overlays_trampoline_lowered:
0x8: {  	[smem:$0x3FA8] =	sst s0  }
0x9: {  	[smem:$0x3FA9] =	sst s1  }
0xa: {  	[smem:$0x3FAA] =	sst s2  }
0xb: {  	[smem:$0x3FAB] =	sst s3  }
0xc: {  	[smem:$0x3FAC] =	sst s4  }
0xd: {  	[smem:$0x3FAD] =	sst s5  }
0xe: {  	[smem:$0x3FAE] =	sst s6  }
0xf: {  	[smem:$0x3FAF] =	sst s7  }
0x10: {  	[smem:$0x3FB0] =	sst s8  }
0x11: {  	[smem:$0x3FB1] =	sst s9;
	s0 =	simm.s32 @!p0 $0x0  }
0x12: {  	s1 =	sld [smem:$0x3F97];
	s0 =	simm.s32 @p0 $0x1  }
0x13: {  	[smem:$0x3FB2] =	sst s0;
	s0 =	simm.s32 @!p1 $0x0  }
0x14: {  	s2 =	sld [smem:$0x3F96];
	s0 =	simm.s32 @p1 $0x1  }
0x15: {  	[smem:$0x3FB3] =	sst s0;
	s0 =	simm.s32 @!p2 $0x0  }
0x16: {  	s3 =	sld [smem:$0x3FDB];
	s0 =	simm.s32 @p2 $0x1  }
0x17: {  	s4 =	simm.s32 $0x1BF5;
	[smem:$0x3FB5] =	sst s0  }
0x18: {  	s0 =	sld [smem:$0x3F98];
	_ =	swait.ge [sflag:s4], $0x0  }
0x19: {  	s7 =	sld [smem:$0x3F99]  }
0x1a: {  	s8 =	sadd.s32 $0xFFFFE003, lr  }
0x1b: {  	s9 =	sadd.s32 $0xFFFFFEF7, lr;
	s5 =	simm.s32 $0xFFFFFFFF;
	p2 =	slt.u32 s8, $0xFFFFF086  }
0x1c: {  	p1 =	slt.u32 s9, $0xF7A;
	s5 =	simm.s32 @!p2 $0x0  }
0x1d: {  	s5 =	simm.s32 @p1 $0x1;
	p0 =	seq.s32 s7, s2  }
0x1e: {  	s7 =	smul.u32 @!p0 $0xF7A, s2;
	p2 =	seq.s32 @!p0 s5, $0x0  }
0x1f: {  	s9 =	smul.u32 $0xF7A, s1;
	s8 =	simm.s32 @!p0 $0x1BF5;
	p2 =	por !p2, p0  }
0x20: {  	[sflag:s8] =	ssyncset.s32 @!p0 $0xFFFFF086;
	s6 =	sadd.s32 @!p0 s3, s7;
	s7 =	simm.s32 @!p0 $0x108  }
0x21: {  	s3 =	sadd.s32 s3, s9;
	s6 =	sadd.s32 @!p0 $0x88, s6;
	s7 =	simm.s32 @p2 $0x1082  }
0x22: {  	[simem:s7], [sflag:s8] =	dma.local @!p0 [hbm:s6], $0xF7A  }
0x23: {  	s9 =	sor.u32 $0xD0000000, s2;
	s6 =	simm.s32 $0x108;
	_ =	swait.ge @!p0 [sflag:s8], $0x0  }
0x24: {  	s3 =	sadd.s32 $0x88, s3;
	s6 =	simm.s32 @!p1 $0x1082;
	[sflag:s4] =	ssyncset.s32 $0xFFFFF086  }
0x25: {  	[simem:s6], [sflag:s4] =	dma.local [hbm:s3], $0xF7A  }
0x26: {  	[smem:$0x3F99] =	sst s1;
	(tag) =	ssettag s2;
	_ =	strace s9  }
0x27: {  	s1 =	sld [smem:$0x3FA9]  }
0x28: {  	s2 =	sld [smem:$0x3FAA]  }
0x29: {  	s4 =	sld [smem:$0x3FAC]  }
0x2a: {  	p0 =	seq.s32 s5, $0x0;
	s5 =	sld [smem:$0x3FAD]  }
0x2b: {  	s6 =	sld [smem:$0x3FAE]  }
0x2c: {  	s7 =	sld [smem:$0x3FAF]  }
0x2d: {  	s3 =	simm.s32 $0x108;
	s8 =	sld [smem:$0x3FB0]  }
0x2e: {  	s3 =	simm.s32 @!p0 $0x1082;
	s9 =	sld [smem:$0x3FB1]  }
0x2f: {  	lr =	sadd.s32 s0, s3;
	s0 =	sld [smem:$0x3FA8]  }
0x30: {  	s3 =	sld [smem:$0x3FAB]  }
0x31: {  	[smem:$0x3FB4] =	sst s10  }
0x32: {  	s10 =	sld [smem:$0x3FB2];
	_ =	sdelay $0x3  }
0x33: {  	p0 =	seq.s32 s10, $0x1;
	s10 =	sld [smem:$0x3FB4];
	_ =	sdelay $0x3  }
0x34: {  	[smem:$0x3FB4] =	sst s10  }
0x35: {  	s10 =	sld [smem:$0x3FB3];
	_ =	sdelay $0x3  }
0x36: {  	p1 =	seq.s32 s10, $0x1;
	s10 =	sld [smem:$0x3FB4];
	_ =	sdelay $0x3  }
0x37: {  	[smem:$0x3FB4] =	sst s10  }
0x38: {  	s10 =	sld [smem:$0x3FB5]  }
0x39: {  	_ = 	snop;
	(pc) =	sbr.ind lr, $3  }
0x3a: {  	_ = 	snop  }
0x3b: {  	_ = 	snop  }
0x3c: {  	p2 =	seq.s32 s10, $0x1;
	s10 =	sld [smem:$0x3FB4]  }
0x3d: {  	_ =	shalt  }
0x3e: {  	_ =	shalt  }
0x3f: {  	_ =	shalt  }
0x40: {  	_ =	shalt  }
0x41: {  	_ =	shalt  }
0x42: {  	_ =	shalt  }
0x43: {  	_ =	shalt  }
0x44: {  	_ =	shalt  }
0x45: {  	_ =	shalt  }
0x46: {  	_ =	shalt  }
0x47: {  	_ =	shalt  }
0x48: {  	_ =	shalt  }
0x49: {  	_ =	shalt  }
0x4a: {  	_ =	shalt  }
0x4b: {  	_ =	shalt  }
0x4c: {  	_ =	shalt  }
0x4d: {  	_ =	shalt  }
0x4e: {  	_ =	shalt  }
0x4f: {  	_ =	shalt  }
0x50: {  	_ =	shalt  }
0x51: {  	_ =	shalt  }
0x52: {  	_ =	shalt  }
0x53: {  	_ =	shalt  }
0x54: {  	_ =	shalt  }
0x55: {  	_ =	shalt  }
0x56: {  	_ =	shalt  }
0x57: {  	_ =	shalt  }
0x58: {  	_ =	shalt  }
0x59: {  	_ =	shalt  }
0x5a: {  	_ =	shalt  }
0x5b: {  	_ =	shalt  }
0x5c: {  	_ =	shalt  }
0x5d: {  	_ =	shalt  }
0x5e: {  	_ =	shalt  }
0x5f: {  	_ =	shalt  }
0x60: {  	_ =	shalt  }
0x61: {  	_ =	shalt  }
0x62: {  	_ =	shalt  }
0x63: {  	_ =	shalt  }
0x64: {  	_ =	shalt  }
0x65: {  	_ =	shalt  }
0x66: {  	_ =	shalt  }
0x67: {  	_ =	shalt  }
0x68: {  	_ =	shalt  }
0x69: {  	_ =	shalt  }
0x6a: {  	_ =	shalt  }
0x6b: {  	_ =	shalt  }
0x6c: {  	_ =	shalt  }
0x6d: {  	_ =	shalt  }
0x6e: {  	_ =	shalt  }
0x6f: {  	_ =	shalt  }
0x70: {  	_ =	shalt  }
0x71: {  	_ =	shalt  }
0x72: {  	_ =	shalt  }
0x73: {  	_ =	shalt  }
0x74: {  	_ =	shalt  }
0x75: {  	_ =	shalt  }
0x76: {  	_ =	shalt  }
0x77: {  	_ =	shalt  }
0x78: {  	_ =	shalt  }
0x79: {  	_ =	shalt  }
0x7a: {  	_ =	shalt  }
0x7b: {  	_ =	shalt  }
0x7c: {  	_ =	shalt  }
0x7d: {  	_ =	shalt  }
0x7e: {  	_ =	shalt  }
0x7f: {  	_ =	shalt  }
0x80: {  	_ =	shalt  }
0x81: {  	_ =	shalt  }
0x82: {  	_ =	shalt  }
0x83: {  	_ =	shalt  }
0x84: {  	_ =	shalt  }
0x85: {  	_ =	shalt  }
0x86: {  	_ =	shalt  }
0x87: {  	_ =	shalt  }
.Lfunc_end0:
.L_simem_size_0:
called_computation.1_lowered:
.L_overlay_start_0:
0x88: {  	s2 =	sld [smem:$0x3FD9]  }
0x89: {  	s3 =	sld [smem:$0x3FFE];
	_ =	sdelay $0x1  }
0x8a: {  	s1 =	srdreg.scid  }
0x8b: {  	s0 =	sand.u32 $0x1, s1  }
0x8c: {  	s17 =	sshll.u32 s0, $0xA;
	s2 =	sadd.s32 s3, s2  }
0x8d: {  	s2 =	sadd.s32 s2, s17  }
0x8e: {  	[smem:$0x3FC0] =	sst s2  }
0x8f: {  	_ = 	snop  }
0x90: {  	s2 =	sld [smem:$0x3FD0];
	(tm) =	ssettm $0x1  }
0x91: {  	s18 =	sld [smem:$0x3FFB];
	_ =	sdelay $0x3  }
0x92: {  	_ =	strace s18  }
0x93: {  	s3 =	sld [smem:$0x3FFC];
	_ =	sdelay $0x3  }
0x94: {  	_ =	strace s3  }
0x95: {  	s3 =	sld [smem:$0x3FFD];
	_ =	sdelay $0x3  }
0x96: {  	_ =	strace s3  }
0x97: {  	_ =	strace $0x8FFFFFFF  }
0x98: {  	s19 =	sld [smem:$0x3FDB];
	_ =	sdelay $0x1  }
0x99: {  	s4 =	simm.s32 $_scs_section_size  }
0x9a: {  	s5 =	simm.s32 $_size__tile_overlayer_lowered;
	s6 =	simm.s32 $_tile_overlayer_lowered  }
0x9b: {  	s22 =	simm.s32 $0x1BFF;
	s21 =	sshll.u32 s6, $0x1;
	s3 =	sadd.s32 s4, s19  }
0x9c: {  	s7 =	simm.s32 $0x0;
	s20 =	sshll.u32 s5, $0x1;
	s5 =	sadd.s32 s21, s3  }
0x9d: {  	[timem:s7], [sflag:s22] =	dma.local [hbm:s5], s20  }
0x9e: {  	_ =	swait.ge [sflag:s22], s20  }
0x9f: {  	s4 =	ssub.s32 $0x0, s20;
	[sflag:s22] =	ssyncset.done $0x0  }
0xa0: {  	[sflag:s22] =	ssyncadd.s32 s4;
	_ =	sdelay $0x1  }
0xa1: {  	s23 =	simm.s32 $0x1B8B  }
0xa2: {  	_ =	swait.ge [sflag:s23], $0x1  }
0xa3: {  	[sflag:s23] =	ssyncset.done $0x0  }
0xa4: {  	s25 =	simm.s32 $0x1B8E;
	s24 =	sld [smem:$0x3FFE];
	[sflag:s23] =	ssyncadd.s32 $0xFFFFFFFF  }
0xa5: {  	s26 =	simm.s32 $execute0_lowered;
	[smem:$0x3FD2] =	sst s25  }
0xa6: {  	s5 =	sshll.u32 s26, $0x1;
	_ =	strace $0x80000049;
	[dreg:$0x1] =	wrdreg $0xFFFFFFFF  }
0xa7: {  	s28 =	simm.s32 $_size_execute0_lowered;
	s3 =	sadd.s32 s3, s5;
	[dreg:$0x0] =	wrdreg $0x0  }
0xa8: {  	s5 =	sshll.u32 s28, $0x1;
	[dreg:$0x2] =	wrdreg s3  }
0xa9: {  	[dreg:$0x3] =	wrdreg s5  }
0xaa: {  	[dreg:$0x4] =	wrdreg $0xC0  }
0xab: {  	_ =	task [dreg:s7], $0x5FFFF  }
0xac: {  	[dreg:$0x1] =	wrdreg $0xFFFFFFFF  }
0xad: {  	[dreg:$0x0] =	wrdreg $0x60  }
0xae: {  	[dreg:$0x2] =	wrdreg s24  }
0xaf: {  	[dreg:$0x3] =	wrdreg s2  }
0xb0: {  	[dreg:$0x4] =	wrdreg $0x0  }
0xb1: {  	[dreg:$0x5] =	wrdreg $0x9  }
0xb2: {  	_ =	task.clear_ibuf [dreg:s7], $0x6FFFF;
	_ =	strace $0x90000049  }
0xb3: {  	s29 =	simm.s32 $0x9;
	_ =	strace $0x8000004B  }
0xb4: {  	_ =	swait.ge [sflag:s29], $0x1  }
0xb5: {  	[sflag:s29] =	ssyncadd.s32 $0xFFFFFFFF  }
0xb6: {  	_ =	strace $0x9000004B  }
0xb7: {  	_ =	sfence  }
0xb8: {  	s30 =	sld [smem:$0x0];
	_ =	sdelay $0x2  }
0xb9: {  	s31 =	sshll.u32 s1, $0xD;
	s1 =	sshrl.u32 s1, $0x2  }
0xba: {  	s3 =	sand.u32 $0x4000, s31;
	s1 =	sadd.s32 s1, s30  }
0xbb: {  	s0 =	sor.u32 s3, s0;
	s1 =	sshll.u32 s1, $0x11  }
0xbc: {  	s0 =	sor.u32 s1, s0  }
0xbd: {  	s0 =	sadd.s32 $0x8F2B, s0  }
0xbe: {  	[sflag:s0] =	ssyncadd.remote.s32 $0x1  }
0xbf: {  	_ =	sfence.sel $0xFFFF  }
0xc0: {  	[dreg:$0x0] =	wrdreg $0xFFFFFFFF;
	(pc) =	sbr.abs _section_cstart, $3  }
0xc1: {  	[dreg:$0x1] =	wrdreg $0xFFFFFFFF  }
0xc2: {  	_ =	task.clear_ibuf [dreg:s7], $0x2FFFF;
	_ =	strace $0x9FFFFFFF  }
0xc3: {  	(tm) =	ssettm $0x7FFFFFFF  }
tec
execute0_lowered:
.L_overlay_start_1:
0x0: {  	(tag) =	ssettag $0x1  }
0x1: {  	s6 =	rddreg [dreg:$0x0]  }
0x2: {  	s9 =	rddreg [dreg:$0x1];
	s0 =	srdreg.scid  }
0x3: {  	s1 =	rddreg [dreg:$0x2];
	s2 =	stileid.u32  }
0x4: {  	s3 =	simm.s32 $0x0;
	s15 =	simm.s32 $0x80;
	s8 =	smul.u32 $0x14000, s2  }
0x5: {  	s16 =	simm.s32 $0x14000;
	s17 =	simm.s32 $0x0;
	s13 =	smul.u32 $0x50000, s2  }
0x6: {  	s5 =	sand.u32 $0x1, s0;
	s0 =	rddreg [dreg:$0x3];
	s30 =	smul.u32 $0x500, s2  }
0x7: {  	[smem:$0x7FF] =	sst s3;
	s4 =	sadd.s32 $0x10800, s6;
	s10 =	smul.u32 $0x5000, s5  }
0x8: {  	s29 =	sshll.u32 s2, $0x6;
	s7 =	smul.u32 $0x140000, s5;
	s26 =	ssub.s32 $0x2, s5  }
0x9: {  	_ =	strace $0x8000004A;
	s5 =	sadd.s32 $0xE000, s6;
	s12 =	sshrl.u32 s26, $0x1  }
0xa: {  	s28 =	sshrl.u32 s13, $0x2;
	s13 =	simm.s32 $0x18000;
	s11 =	sadd.s32 s10, s6  }
0xb: {  	s7 =	sadd.s32 s8, s7;
	s8 =	ssub.s32 s26, s12;
	s14 =	sadd.s32 s28, s1  }
0xc: {  	s9 =	sadd.s32 s10, s9;
	s12 =	simm.s32 $0x1;
	s7 =	sshrl.u32 s7, $0x3  }
0xd: {  	s8 =	smax.u32 s8, $0x1;
	s31 =	sadd.s32 s30, s11;
	s9 =	sadd.s32 s30, s9  }
0xe: {  	s11 =	sshrl.u32 s14, $0x3;
	s14 =	simm.s32 $0x18080;
	s7 =	sadd.s32 s7, s6  }
0xf: {  	s6 =	sor.u32 $0x1C01, s29;
	s10 =	sadd.s32 $0x3000, s31;
	s7 =	sadd.s32 $0x38800, s7  }
.LBB2_1:
0x10: {  	[spmem:s11], [sflag:s6] =	dma.local [hbm:s5], $0x2800  }
0x11: {  	_ =	swait.ge [sflag:s12], $0x2800  }
0x12: {  	[sflag:s12] =	ssyncset.done $0x0  }
0x13: {  	[sflag:s12] =	ssyncadd.s32 $0xFFFFD800  }
0x14: {  	s18 =	sadd.s32 $0x0, s10;
	[bflag:$0x0] =	sbarrier.arrive $0xFFFF  }
0x15: {  	[tilespmem:s13], [sflag:$0x1] =	stream.linear.gather [hbm4b:s18+s3], $0x80, $0x38;
	[tilespmem:$0x18100] =	vst v63  }
0x16: {  	_ =	swait.ge [sflag:s12], $0x80  }
0x17: {  	[sflag:s12] =	ssyncset.done $0x0  }
0x18: {  	s31 =	sadd.s32 $0x0, s9;
	[sflag:s12] =	ssyncadd.s32 $0xFFFFFF80  }
0x19: {  	[tilespmem:s14], [sflag:$0x1] =	stream.linear.gather [hbm4b:s31+s3], $0x80, $0x38;
	[tilespmem:$0x18100] =	vst v63  }
0x1a: {  	_ =	swait.ge [sflag:s12], $0x80  }
0x1b: {  	[sflag:s12] =	ssyncset.done $0x0  }
0x1c: {  	[sflag:s12] =	ssyncadd.s32 $0xFFFFFF80  }
0x1d: {  	[tilespmem:s16], [sflag:$0x1] =	stream.indirect.gather [hbm4b:s4+s15], $0x80, s13, s15, $0xb8;
	[tilespmem:$0x18100] =	vst v63  }
0x1e: {  	_ =	swait.ge [sflag:s12], $0x4000  }
0x1f: {  	[sflag:s12] =	ssyncset.done $0x0  }
0x20: {  	[sflag:s12] =	ssyncadd.s32 $0xFFFFC000  }
0x21: {  	[spmem:s1] =	stream.indirect.scatter.add.f32 [tilespmem:s16], [sflag:$0x1], $0x80, s14, s15, $0xb8;
	[tilespmem:$0x18100] =	vst v63  }
0x22: {  	_ =	swait.ge [sflag:s12], $0x4000  }
0x23: {  	s19 =	simm.s32 $0x20;
	s18 =	simm.s32 $0x10;
	[sflag:s12] =	ssyncset.done $0x0  }
.LBB2_2:
0x24: {  	s20 =	sadd.s32 s18, s10  }
0x25: {  	[sflag:s12] =	ssyncadd.s32 $0xFFFFC000;
	s21 =	smov.u32 s19;
	s22 =	sadd.s32 $0x10, s19  }
0x26: {  	[tilespmem:s13], [sflag:$0x1] =	stream.linear.gather [hbm4b:s20+s3], $0x80, $0x38;
	[tilespmem:$0x18100] =	vst v63  }
0x27: {  	p0 =	sne.s32 s19, $0x4F0;
	_ =	swait.ge [sflag:s12], $0x80  }
0x28: {  	[sflag:s12] =	ssyncset.done $0x0  }
0x29: {  	s19 =	sadd.s32 s18, s9;
	s18 =	smov.u32 s21;
	[sflag:s12] =	ssyncadd.s32 $0xFFFFFF80  }
0x2a: {  	[tilespmem:s14], [sflag:$0x1] =	stream.linear.gather [hbm4b:s19+s3], $0x80, $0x38;
	[tilespmem:$0x18100] =	vst v63  }
0x2b: {  	_ =	swait.ge [sflag:s12], $0x80  }
0x2c: {  	[sflag:s12] =	ssyncset.done $0x0  }
0x2d: {  	[sflag:s12] =	ssyncadd.s32 $0xFFFFFF80  }
0x2e: {  	[tilespmem:s16], [sflag:$0x1] =	stream.indirect.gather [hbm4b:s4+s15], $0x80, s13, s15, $0xb8;
	[tilespmem:$0x18100] =	vst v63  }
0x2f: {  	_ =	swait.ge [sflag:s12], $0x4000  }
.Ltmp0:
0x30: {  	[sflag:s12] =	ssyncset.done $0x0;
	(pc) =	sbr.rel @p0 .LBB2_2-.Ltmp0, $4  }
0x31: {  	[sflag:s12] =	ssyncadd.s32 $0xFFFFC000  }
0x32: {  	[spmem:s1] =	stream.indirect.scatter.add.f32 [tilespmem:s16], [sflag:$0x1], $0x80, s14, s15, $0xb8;
	[tilespmem:$0x18100] =	vst v63  }
0x33: {  	_ =	swait.ge [sflag:s12], $0x4000  }
0x34: {  	s19 =	smov.u32 s22;
	[sflag:s12] =	ssyncset.done $0x0  }
0x35: {  	s19 =	sadd.s32 s18, s10;
	[sflag:s12] =	ssyncadd.s32 $0xFFFFC000  }
0x36: {  	[tilespmem:s13], [sflag:$0x1] =	stream.linear.gather [hbm4b:s19+s3], $0x80, $0x38;
	[tilespmem:$0x18100] =	vst v63  }
0x37: {  	_ =	swait.ge [sflag:s12], $0x80  }
0x38: {  	[sflag:s12] =	ssyncset.done $0x0  }
0x39: {  	s31 =	sadd.s32 s18, s9;
	[sflag:s12] =	ssyncadd.s32 $0xFFFFFF80  }
0x3a: {  	[tilespmem:s14], [sflag:$0x1] =	stream.linear.gather [hbm4b:s31+s3], $0x80, $0x38;
	[tilespmem:$0x18100] =	vst v63  }
0x3b: {  	_ =	swait.ge [sflag:s12], $0x80  }
0x3c: {  	[sflag:s12] =	ssyncset.done $0x0  }
0x3d: {  	[sflag:s12] =	ssyncadd.s32 $0xFFFFFF80  }
0x3e: {  	[tilespmem:s16], [sflag:$0x1] =	stream.indirect.gather [hbm4b:s4+s15], $0x80, s13, s15, $0xb8;
	[tilespmem:$0x18100] =	vst v63  }
0x3f: {  	_ =	swait.ge [sflag:s12], $0x4000  }
0x40: {  	[sflag:s12] =	ssyncset.done $0x0  }
0x41: {  	[sflag:s12] =	ssyncadd.s32 $0xFFFFC000  }
0x42: {  	[spmem:s1] =	stream.indirect.scatter.add.f32 [tilespmem:s16], [sflag:$0x1], $0x80, s14, s15, $0xb8;
	[tilespmem:$0x18100] =	vst v63  }
0x43: {  	_ =	swait.ge [sflag:s12], $0x4000  }
0x44: {  	s17 =	sadd.s32 $0x1, s17;
	[sflag:s12] =	ssyncset.done $0x0  }
0x45: {  	p0 =	sne.s32 s17, s8;
	[sflag:s12] =	ssyncadd.s32 $0xFFFFC000  }
.Ltmp1:
0x46: {  	[bflag:$0x0] =	sbarrier.arrive $0xFFFF;
	(pc) =	sbr.rel @p0 .LBB2_1-.Ltmp1, $4  }
0x47: {  	[hbm:s7], [sflag:s6] =	dma.local [spmem:s11], $0x2800  }
0x48: {  	_ =	swait.ge [sflag:s12], $0x2800  }
0x49: {  	[sflag:s12] =	ssyncset.done $0x0  }
0x4a: {  	[sflag:s12] =	ssyncadd.s32 $0xFFFFD800  }
0x4b: {  	_ =	sfence.sel $0x180000  }
0x4c: {  	[bflag:$0x0] =	sbarrier.arrive $0xFFFF  }
0x4d: {  	p0 =	sne.s32 s2, $0x0;
	_ =	strace $0x9000004A  }
0x4e: {  	s0 =	sadd.s32 @!p0 $0x100000, s0;
	[bflag:$0x2] =	sbarrier.arrive $0xFFFF  }
0x4f: {  	[sflag:s0] =	ssyncadd.tile.s32 @!p0 $0x1;
	_ =	shalt  }
.Lfunc_end2:
_tile_overlayer_lowered:
.L_overlay_start_2:
0x50: {  	(tag) =	ssettag $0x2  }
0x51: {  	s0 =	rddreg [dreg:$0x0];
	s2 =	stileid.u32  }
0x52: {  	s1 =	rddreg [dreg:$0x1];
	p0 =	sne.s32 s2, $0x0  }
0x53: {  	s3 =	rddreg [dreg:$0x2];
	[bflag:$0x3] =	sbarrier.arrive $0xFFFF;
	s2 =	simm.s32 @!p0 $0x1C01  }
0x54: {  	[timem:s3], [sflag:s2] =	dma.local @!p0 [hbm:s0], s1  }
0x55: {  	s0 =	simm.s32 @!p0 $0x1  }
0x56: {  	_ =	swait.ge @!p0 [sflag:s0], s1  }
0x57: {  	s1 =	ssub.s32 @!p0 $0x0, s1;
	[sflag:s0] =	ssyncset.done @!p0 $0x0  }
0x58: {  	[sflag:s0] =	ssyncadd.s32 @!p0 s1  }
0x59: {  	[bflag:$0x3] =	sbarrier.arrive $0xFFFF  }
0x5a: {  	_ =	shalt  }

// kernel: kernel.16.cloned.1.call-start
scs
__scs_entry_jumppad:
0x0: {  	(pc) =	sbr.rel $0x88, $3  }
0x1: {  	(tag) =	ssettag $0x0;
	lr =	simm.s32 $0x1  }
0x2: {  	[smem:$0x3F99] =	sst lr;
	_ =	strace $0xD0000000  }
0x3: {  	_ = 	snop  }
0x4: {  	_ = 	snop  }
0x5: {  	_ = 	snop  }
0x6: {  	_ = 	snop  }
0x7: {  	_ = 	snop  }
__scs_overlays_trampoline_lowered:
0x8: {  	[smem:$0x3FA8] =	sst s0  }
0x9: {  	[smem:$0x3FA9] =	sst s1  }
0xa: {  	[smem:$0x3FAA] =	sst s2  }
0xb: {  	[smem:$0x3FAB] =	sst s3  }
0xc: {  	[smem:$0x3FAC] =	sst s4  }
0xd: {  	[smem:$0x3FAD] =	sst s5  }
0xe: {  	[smem:$0x3FAE] =	sst s6  }
0xf: {  	[smem:$0x3FAF] =	sst s7  }
0x10: {  	[smem:$0x3FB0] =	sst s8  }
0x11: {  	[smem:$0x3FB1] =	sst s9;
	s0 =	simm.s32 @!p0 $0x0  }
0x12: {  	s1 =	sld [smem:$0x3F97];
	s0 =	simm.s32 @p0 $0x1  }
0x13: {  	[smem:$0x3FB2] =	sst s0;
	s0 =	simm.s32 @!p1 $0x0  }
0x14: {  	s2 =	sld [smem:$0x3F96];
	s0 =	simm.s32 @p1 $0x1  }
0x15: {  	[smem:$0x3FB3] =	sst s0;
	s0 =	simm.s32 @!p2 $0x0  }
0x16: {  	s3 =	sld [smem:$0x3FDB];
	s0 =	simm.s32 @p2 $0x1  }
0x17: {  	s4 =	simm.s32 $0x1BF5;
	[smem:$0x3FB5] =	sst s0  }
0x18: {  	s0 =	sld [smem:$0x3F98];
	_ =	swait.ge [sflag:s4], $0x0  }
0x19: {  	s7 =	sld [smem:$0x3F99]  }
0x1a: {  	s8 =	sadd.s32 $0xFFFFE003, lr  }
0x1b: {  	s9 =	sadd.s32 $0xFFFFFEF7, lr;
	s5 =	simm.s32 $0xFFFFFFFF;
	p2 =	slt.u32 s8, $0xFFFFF086  }
0x1c: {  	p1 =	slt.u32 s9, $0xF7A;
	s5 =	simm.s32 @!p2 $0x0  }
0x1d: {  	s5 =	simm.s32 @p1 $0x1;
	p0 =	seq.s32 s7, s2  }
0x1e: {  	s7 =	smul.u32 @!p0 $0xF7A, s2;
	p2 =	seq.s32 @!p0 s5, $0x0  }
0x1f: {  	s9 =	smul.u32 $0xF7A, s1;
	s8 =	simm.s32 @!p0 $0x1BF5;
	p2 =	por !p2, p0  }
0x20: {  	[sflag:s8] =	ssyncset.s32 @!p0 $0xFFFFF086;
	s6 =	sadd.s32 @!p0 s3, s7;
	s7 =	simm.s32 @!p0 $0x108  }
0x21: {  	s3 =	sadd.s32 s3, s9;
	s6 =	sadd.s32 @!p0 $0x88, s6;
	s7 =	simm.s32 @p2 $0x1082  }
0x22: {  	[simem:s7], [sflag:s8] =	dma.local @!p0 [hbm:s6], $0xF7A  }
0x23: {  	s9 =	sor.u32 $0xD0000000, s2;
	s6 =	simm.s32 $0x108;
	_ =	swait.ge @!p0 [sflag:s8], $0x0  }
0x24: {  	s3 =	sadd.s32 $0x88, s3;
	s6 =	simm.s32 @!p1 $0x1082;
	[sflag:s4] =	ssyncset.s32 $0xFFFFF086  }
0x25: {  	[simem:s6], [sflag:s4] =	dma.local [hbm:s3], $0xF7A  }
0x26: {  	[smem:$0x3F99] =	sst s1;
	(tag) =	ssettag s2;
	_ =	strace s9  }
0x27: {  	s1 =	sld [smem:$0x3FA9]  }
0x28: {  	s2 =	sld [smem:$0x3FAA]  }
0x29: {  	s4 =	sld [smem:$0x3FAC]  }
0x2a: {  	p0 =	seq.s32 s5, $0x0;
	s5 =	sld [smem:$0x3FAD]  }
0x2b: {  	s6 =	sld [smem:$0x3FAE]  }
0x2c: {  	s7 =	sld [smem:$0x3FAF]  }
0x2d: {  	s3 =	simm.s32 $0x108;
	s8 =	sld [smem:$0x3FB0]  }
0x2e: {  	s3 =	simm.s32 @!p0 $0x1082;
	s9 =	sld [smem:$0x3FB1]  }
0x2f: {  	lr =	sadd.s32 s0, s3;
	s0 =	sld [smem:$0x3FA8]  }
0x30: {  	s3 =	sld [smem:$0x3FAB]  }
0x31: {  	[smem:$0x3FB4] =	sst s10  }
0x32: {  	s10 =	sld [smem:$0x3FB2];
	_ =	sdelay $0x3  }
0x33: {  	p0 =	seq.s32 s10, $0x1;
	s10 =	sld [smem:$0x3FB4];
	_ =	sdelay $0x3  }
0x34: {  	[smem:$0x3FB4] =	sst s10  }
0x35: {  	s10 =	sld [smem:$0x3FB3];
	_ =	sdelay $0x3  }
0x36: {  	p1 =	seq.s32 s10, $0x1;
	s10 =	sld [smem:$0x3FB4];
	_ =	sdelay $0x3  }
0x37: {  	[smem:$0x3FB4] =	sst s10  }
0x38: {  	s10 =	sld [smem:$0x3FB5]  }
0x39: {  	_ = 	snop;
	(pc) =	sbr.ind lr, $3  }
0x3a: {  	_ = 	snop  }
0x3b: {  	_ = 	snop  }
0x3c: {  	p2 =	seq.s32 s10, $0x1;
	s10 =	sld [smem:$0x3FB4]  }
0x3d: {  	_ =	shalt  }
0x3e: {  	_ =	shalt  }
0x3f: {  	_ =	shalt  }
0x40: {  	_ =	shalt  }
0x41: {  	_ =	shalt  }
0x42: {  	_ =	shalt  }
0x43: {  	_ =	shalt  }
0x44: {  	_ =	shalt  }
0x45: {  	_ =	shalt  }
0x46: {  	_ =	shalt  }
0x47: {  	_ =	shalt  }
0x48: {  	_ =	shalt  }
0x49: {  	_ =	shalt  }
0x4a: {  	_ =	shalt  }
0x4b: {  	_ =	shalt  }
0x4c: {  	_ =	shalt  }
0x4d: {  	_ =	shalt  }
0x4e: {  	_ =	shalt  }
0x4f: {  	_ =	shalt  }
0x50: {  	_ =	shalt  }
0x51: {  	_ =	shalt  }
0x52: {  	_ =	shalt  }
0x53: {  	_ =	shalt  }
0x54: {  	_ =	shalt  }
0x55: {  	_ =	shalt  }
0x56: {  	_ =	shalt  }
0x57: {  	_ =	shalt  }
0x58: {  	_ =	shalt  }
0x59: {  	_ =	shalt  }
0x5a: {  	_ =	shalt  }
0x5b: {  	_ =	shalt  }
0x5c: {  	_ =	shalt  }
0x5d: {  	_ =	shalt  }
0x5e: {  	_ =	shalt  }
0x5f: {  	_ =	shalt  }
0x60: {  	_ =	shalt  }
0x61: {  	_ =	shalt  }
0x62: {  	_ =	shalt  }
0x63: {  	_ =	shalt  }
0x64: {  	_ =	shalt  }
0x65: {  	_ =	shalt  }
0x66: {  	_ =	shalt  }
0x67: {  	_ =	shalt  }
0x68: {  	_ =	shalt  }
0x69: {  	_ =	shalt  }
0x6a: {  	_ =	shalt  }
0x6b: {  	_ =	shalt  }
0x6c: {  	_ =	shalt  }
0x6d: {  	_ =	shalt  }
0x6e: {  	_ =	shalt  }
0x6f: {  	_ =	shalt  }
0x70: {  	_ =	shalt  }
0x71: {  	_ =	shalt  }
0x72: {  	_ =	shalt  }
0x73: {  	_ =	shalt  }
0x74: {  	_ =	shalt  }
0x75: {  	_ =	shalt  }
0x76: {  	_ =	shalt  }
0x77: {  	_ =	shalt  }
0x78: {  	_ =	shalt  }
0x79: {  	_ =	shalt  }
0x7a: {  	_ =	shalt  }
0x7b: {  	_ =	shalt  }
0x7c: {  	_ =	shalt  }
0x7d: {  	_ =	shalt  }
0x7e: {  	_ =	shalt  }
0x7f: {  	_ =	shalt  }
0x80: {  	_ =	shalt  }
0x81: {  	_ =	shalt  }
0x82: {  	_ =	shalt  }
0x83: {  	_ =	shalt  }
0x84: {  	_ =	shalt  }
0x85: {  	_ =	shalt  }
0x86: {  	_ =	shalt  }
0x87: {  	_ =	shalt  }
.Lfunc_end0:
.L_simem_size_0:
called_computation.2_lowered:
.L_overlay_start_0:
0x88: {  	s2 =	sld [smem:$0x3FD9]  }
0x89: {  	s3 =	sld [smem:$0x3FFE];
	_ =	sdelay $0x1  }
0x8a: {  	s1 =	srdreg.scid  }
0x8b: {  	s0 =	sand.u32 $0x1, s1  }
0x8c: {  	s17 =	sshll.u32 s0, $0xA;
	s2 =	sadd.s32 s3, s2  }
0x8d: {  	s2 =	sadd.s32 s2, s17  }
0x8e: {  	[smem:$0x3FC0] =	sst s2  }
0x8f: {  	_ = 	snop  }
0x90: {  	s2 =	sld [smem:$0x3FD0];
	(tm) =	ssettm $0x1  }
0x91: {  	s18 =	sld [smem:$0x3FFB];
	_ =	sdelay $0x3  }
0x92: {  	_ =	strace s18  }
0x93: {  	s3 =	sld [smem:$0x3FFC];
	_ =	sdelay $0x3  }
0x94: {  	_ =	strace s3  }
0x95: {  	s3 =	sld [smem:$0x3FFD];
	_ =	sdelay $0x3  }
0x96: {  	_ =	strace s3  }
0x97: {  	_ =	strace $0x8FFFFFFF  }
0x98: {  	s19 =	sld [smem:$0x3FDB];
	_ =	sdelay $0x1  }
0x99: {  	s4 =	simm.s32 $_scs_section_size  }
0x9a: {  	s5 =	simm.s32 $_size__tile_overlayer_lowered;
	s6 =	simm.s32 $_tile_overlayer_lowered  }
0x9b: {  	s22 =	simm.s32 $0x1BFF;
	s21 =	sshll.u32 s6, $0x1;
	s3 =	sadd.s32 s4, s19  }
0x9c: {  	s7 =	simm.s32 $0x0;
	s20 =	sshll.u32 s5, $0x1;
	s5 =	sadd.s32 s21, s3  }
0x9d: {  	[timem:s7], [sflag:s22] =	dma.local [hbm:s5], s20  }
0x9e: {  	_ =	swait.ge [sflag:s22], s20  }
0x9f: {  	s4 =	ssub.s32 $0x0, s20;
	[sflag:s22] =	ssyncset.done $0x0  }
0xa0: {  	[sflag:s22] =	ssyncadd.s32 s4;
	_ =	sdelay $0x1  }
0xa1: {  	s23 =	simm.s32 $0x1B8B  }
0xa2: {  	_ =	swait.ge [sflag:s23], $0x1  }
0xa3: {  	[sflag:s23] =	ssyncset.done $0x0  }
0xa4: {  	s25 =	simm.s32 $0x1B8E;
	s24 =	sld [smem:$0x3FFE];
	[sflag:s23] =	ssyncadd.s32 $0xFFFFFFFF  }
0xa5: {  	s26 =	simm.s32 $execute0_lowered;
	[smem:$0x3FD2] =	sst s25  }
0xa6: {  	s5 =	sshll.u32 s26, $0x1;
	_ =	strace $0x8000004C;
	[dreg:$0x1] =	wrdreg $0xFFFFFFFF  }
0xa7: {  	s28 =	simm.s32 $_size_execute0_lowered;
	s3 =	sadd.s32 s3, s5;
	[dreg:$0x0] =	wrdreg $0x0  }
0xa8: {  	s5 =	sshll.u32 s28, $0x1;
	[dreg:$0x2] =	wrdreg s3  }
0xa9: {  	[dreg:$0x3] =	wrdreg s5  }
0xaa: {  	[dreg:$0x4] =	wrdreg $0xC0  }
0xab: {  	_ =	task [dreg:s7], $0x5FFFF  }
0xac: {  	[dreg:$0x1] =	wrdreg $0xFFFFFFFF  }
0xad: {  	[dreg:$0x0] =	wrdreg $0x60  }
0xae: {  	[dreg:$0x2] =	wrdreg s24  }
0xaf: {  	[dreg:$0x3] =	wrdreg s2  }
0xb0: {  	[dreg:$0x4] =	wrdreg $0x0  }
0xb1: {  	[dreg:$0x5] =	wrdreg $0x9  }
0xb2: {  	_ =	task.clear_ibuf [dreg:s7], $0x6FFFF;
	_ =	strace $0x9000004C  }
0xb3: {  	s29 =	simm.s32 $0x9;
	_ =	strace $0x8000004E  }
0xb4: {  	_ =	swait.ge [sflag:s29], $0x1  }
0xb5: {  	[sflag:s29] =	ssyncadd.s32 $0xFFFFFFFF  }
0xb6: {  	_ =	strace $0x9000004E  }
0xb7: {  	_ =	sfence  }
0xb8: {  	s30 =	sld [smem:$0x0];
	_ =	sdelay $0x2  }
0xb9: {  	s31 =	sshll.u32 s1, $0xD;
	s1 =	sshrl.u32 s1, $0x2  }
0xba: {  	s3 =	sand.u32 $0x4000, s31;
	s1 =	sadd.s32 s1, s30  }
0xbb: {  	s0 =	sor.u32 s3, s0;
	s1 =	sshll.u32 s1, $0x11  }
0xbc: {  	s0 =	sor.u32 s1, s0  }
0xbd: {  	s0 =	sadd.s32 $0x8F2B, s0  }
0xbe: {  	[sflag:s0] =	ssyncadd.remote.s32 $0x1  }
0xbf: {  	_ =	sfence.sel $0xFFFF  }
0xc0: {  	[dreg:$0x0] =	wrdreg $0xFFFFFFFF;
	(pc) =	sbr.abs _section_cstart, $3  }
0xc1: {  	[dreg:$0x1] =	wrdreg $0xFFFFFFFF  }
0xc2: {  	_ =	task.clear_ibuf [dreg:s7], $0x2FFFF;
	_ =	strace $0x9FFFFFFF  }
0xc3: {  	(tm) =	ssettm $0x7FFFFFFF  }
tec
execute0_lowered:
.L_overlay_start_1:
0x0: {  	(tag) =	ssettag $0x1  }
0x1: {  	s6 =	rddreg [dreg:$0x0]  }
0x2: {  	s9 =	rddreg [dreg:$0x1];
	s0 =	srdreg.scid  }
0x3: {  	s1 =	rddreg [dreg:$0x2];
	s2 =	stileid.u32  }
0x4: {  	s3 =	simm.s32 $0x0;
	s15 =	simm.s32 $0x80;
	s8 =	smul.u32 $0x14000, s2  }
0x5: {  	s16 =	simm.s32 $0x14000;
	s17 =	simm.s32 $0x0;
	s13 =	smul.u32 $0x50000, s2  }
0x6: {  	s5 =	sand.u32 $0x1, s0;
	s0 =	rddreg [dreg:$0x3];
	s30 =	smul.u32 $0x500, s2  }
0x7: {  	[smem:$0x7FF] =	sst s3;
	s4 =	sadd.s32 $0x10800, s6;
	s10 =	smul.u32 $0x5000, s5  }
0x8: {  	s29 =	sshll.u32 s2, $0x6;
	s7 =	smul.u32 $0x140000, s5;
	s26 =	ssub.s32 $0x2, s5  }
0x9: {  	_ =	strace $0x8000004D;
	s5 =	sadd.s32 $0xE000, s6;
	s12 =	sshrl.u32 s26, $0x1  }
0xa: {  	s28 =	sshrl.u32 s13, $0x2;
	s13 =	simm.s32 $0x18000;
	s11 =	sadd.s32 s10, s6  }
0xb: {  	s7 =	sadd.s32 s8, s7;
	s8 =	ssub.s32 s26, s12;
	s14 =	sadd.s32 s28, s1  }
0xc: {  	s9 =	sadd.s32 s10, s9;
	s12 =	simm.s32 $0x1;
	s7 =	sshrl.u32 s7, $0x3  }
0xd: {  	s8 =	smax.u32 s8, $0x1;
	s31 =	sadd.s32 s30, s11;
	s9 =	sadd.s32 s30, s9  }
0xe: {  	s11 =	sshrl.u32 s14, $0x3;
	s14 =	simm.s32 $0x18080;
	s7 =	sadd.s32 s7, s6  }
0xf: {  	s6 =	sor.u32 $0x1C01, s29;
	s10 =	sadd.s32 $0x3000, s31;
	s7 =	sadd.s32 $0x38800, s7  }
.LBB2_1:
0x10: {  	[spmem:s11], [sflag:s6] =	dma.local [hbm:s5], $0x2800  }
0x11: {  	_ =	swait.ge [sflag:s12], $0x2800  }
0x12: {  	[sflag:s12] =	ssyncset.done $0x0  }
0x13: {  	[sflag:s12] =	ssyncadd.s32 $0xFFFFD800  }
0x14: {  	s18 =	sadd.s32 $0x0, s10;
	[bflag:$0x0] =	sbarrier.arrive $0xFFFF  }
0x15: {  	[tilespmem:s13], [sflag:$0x1] =	stream.linear.gather [hbm4b:s18+s3], $0x80, $0x38;
	[tilespmem:$0x18100] =	vst v63  }
0x16: {  	_ =	swait.ge [sflag:s12], $0x80  }
0x17: {  	[sflag:s12] =	ssyncset.done $0x0  }
0x18: {  	s31 =	sadd.s32 $0x0, s9;
	[sflag:s12] =	ssyncadd.s32 $0xFFFFFF80  }
0x19: {  	[tilespmem:s14], [sflag:$0x1] =	stream.linear.gather [hbm4b:s31+s3], $0x80, $0x38;
	[tilespmem:$0x18100] =	vst v63  }
0x1a: {  	_ =	swait.ge [sflag:s12], $0x80  }
0x1b: {  	[sflag:s12] =	ssyncset.done $0x0  }
0x1c: {  	[sflag:s12] =	ssyncadd.s32 $0xFFFFFF80  }
0x1d: {  	[tilespmem:s16], [sflag:$0x1] =	stream.indirect.gather [hbm4b:s4+s15], $0x80, s13, s15, $0xb8;
	[tilespmem:$0x18100] =	vst v63  }
0x1e: {  	_ =	swait.ge [sflag:s12], $0x4000  }
0x1f: {  	[sflag:s12] =	ssyncset.done $0x0  }
0x20: {  	[sflag:s12] =	ssyncadd.s32 $0xFFFFC000  }
0x21: {  	[spmem:s1] =	stream.indirect.scatter.add.f32 [tilespmem:s16], [sflag:$0x1], $0x80, s14, s15, $0xb8;
	[tilespmem:$0x18100] =	vst v63  }
0x22: {  	_ =	swait.ge [sflag:s12], $0x4000  }
0x23: {  	s19 =	simm.s32 $0x20;
	s18 =	simm.s32 $0x10;
	[sflag:s12] =	ssyncset.done $0x0  }
.LBB2_2:
0x24: {  	s20 =	sadd.s32 s18, s10  }
0x25: {  	[sflag:s12] =	ssyncadd.s32 $0xFFFFC000;
	s21 =	smov.u32 s19;
	s22 =	sadd.s32 $0x10, s19  }
0x26: {  	[tilespmem:s13], [sflag:$0x1] =	stream.linear.gather [hbm4b:s20+s3], $0x80, $0x38;
	[tilespmem:$0x18100] =	vst v63  }
0x27: {  	p0 =	sne.s32 s19, $0x4F0;
	_ =	swait.ge [sflag:s12], $0x80  }
0x28: {  	[sflag:s12] =	ssyncset.done $0x0  }
0x29: {  	s19 =	sadd.s32 s18, s9;
	s18 =	smov.u32 s21;
	[sflag:s12] =	ssyncadd.s32 $0xFFFFFF80  }
0x2a: {  	[tilespmem:s14], [sflag:$0x1] =	stream.linear.gather [hbm4b:s19+s3], $0x80, $0x38;
	[tilespmem:$0x18100] =	vst v63  }
0x2b: {  	_ =	swait.ge [sflag:s12], $0x80  }
0x2c: {  	[sflag:s12] =	ssyncset.done $0x0  }
0x2d: {  	[sflag:s12] =	ssyncadd.s32 $0xFFFFFF80  }
0x2e: {  	[tilespmem:s16], [sflag:$0x1] =	stream.indirect.gather [hbm4b:s4+s15], $0x80, s13, s15, $0xb8;
	[tilespmem:$0x18100] =	vst v63  }
0x2f: {  	_ =	swait.ge [sflag:s12], $0x4000  }
.Ltmp0:
0x30: {  	[sflag:s12] =	ssyncset.done $0x0;
	(pc) =	sbr.rel @p0 .LBB2_2-.Ltmp0, $4  }
0x31: {  	[sflag:s12] =	ssyncadd.s32 $0xFFFFC000  }
0x32: {  	[spmem:s1] =	stream.indirect.scatter.add.f32 [tilespmem:s16], [sflag:$0x1], $0x80, s14, s15, $0xb8;
	[tilespmem:$0x18100] =	vst v63  }
0x33: {  	_ =	swait.ge [sflag:s12], $0x4000  }
0x34: {  	s19 =	smov.u32 s22;
	[sflag:s12] =	ssyncset.done $0x0  }
0x35: {  	s19 =	sadd.s32 s18, s10;
	[sflag:s12] =	ssyncadd.s32 $0xFFFFC000  }
0x36: {  	[tilespmem:s13], [sflag:$0x1] =	stream.linear.gather [hbm4b:s19+s3], $0x80, $0x38;
	[tilespmem:$0x18100] =	vst v63  }
0x37: {  	_ =	swait.ge [sflag:s12], $0x80  }
0x38: {  	[sflag:s12] =	ssyncset.done $0x0  }
0x39: {  	s31 =	sadd.s32 s18, s9;
	[sflag:s12] =	ssyncadd.s32 $0xFFFFFF80  }
0x3a: {  	[tilespmem:s14], [sflag:$0x1] =	stream.linear.gather [hbm4b:s31+s3], $0x80, $0x38;
	[tilespmem:$0x18100] =	vst v63  }
0x3b: {  	_ =	swait.ge [sflag:s12], $0x80  }
0x3c: {  	[sflag:s12] =	ssyncset.done $0x0  }
0x3d: {  	[sflag:s12] =	ssyncadd.s32 $0xFFFFFF80  }
0x3e: {  	[tilespmem:s16], [sflag:$0x1] =	stream.indirect.gather [hbm4b:s4+s15], $0x80, s13, s15, $0xb8;
	[tilespmem:$0x18100] =	vst v63  }
0x3f: {  	_ =	swait.ge [sflag:s12], $0x4000  }
0x40: {  	[sflag:s12] =	ssyncset.done $0x0  }
0x41: {  	[sflag:s12] =	ssyncadd.s32 $0xFFFFC000  }
0x42: {  	[spmem:s1] =	stream.indirect.scatter.add.f32 [tilespmem:s16], [sflag:$0x1], $0x80, s14, s15, $0xb8;
	[tilespmem:$0x18100] =	vst v63  }
0x43: {  	_ =	swait.ge [sflag:s12], $0x4000  }
0x44: {  	s17 =	sadd.s32 $0x1, s17;
	[sflag:s12] =	ssyncset.done $0x0  }
0x45: {  	p0 =	sne.s32 s17, s8;
	[sflag:s12] =	ssyncadd.s32 $0xFFFFC000  }
.Ltmp1:
0x46: {  	[bflag:$0x0] =	sbarrier.arrive $0xFFFF;
	(pc) =	sbr.rel @p0 .LBB2_1-.Ltmp1, $4  }
0x47: {  	[hbm:s7], [sflag:s6] =	dma.local [spmem:s11], $0x2800  }
0x48: {  	_ =	swait.ge [sflag:s12], $0x2800  }
0x49: {  	[sflag:s12] =	ssyncset.done $0x0  }
0x4a: {  	[sflag:s12] =	ssyncadd.s32 $0xFFFFD800  }
0x4b: {  	_ =	sfence.sel $0x180000  }
0x4c: {  	[bflag:$0x0] =	sbarrier.arrive $0xFFFF  }
0x4d: {  	p0 =	sne.s32 s2, $0x0;
	_ =	strace $0x9000004D  }
0x4e: {  	s0 =	sadd.s32 @!p0 $0x100000, s0;
	[bflag:$0x2] =	sbarrier.arrive $0xFFFF  }
0x4f: {  	[sflag:s0] =	ssyncadd.tile.s32 @!p0 $0x1;
	_ =	shalt  }
.Lfunc_end2:
_tile_overlayer_lowered:
.L_overlay_start_2:
0x50: {  	(tag) =	ssettag $0x2  }
0x51: {  	s0 =	rddreg [dreg:$0x0];
	s2 =	stileid.u32  }
0x52: {  	s1 =	rddreg [dreg:$0x1];
	p0 =	sne.s32 s2, $0x0  }
0x53: {  	s3 =	rddreg [dreg:$0x2];
	[bflag:$0x3] =	sbarrier.arrive $0xFFFF;
	s2 =	simm.s32 @!p0 $0x1C01  }
0x54: {  	[timem:s3], [sflag:s2] =	dma.local @!p0 [hbm:s0], s1  }
0x55: {  	s0 =	simm.s32 @!p0 $0x1  }
0x56: {  	_ =	swait.ge @!p0 [sflag:s0], s1  }
0x57: {  	s1 =	ssub.s32 @!p0 $0x0, s1;
	[sflag:s0] =	ssyncset.done @!p0 $0x0  }
0x58: {  	[sflag:s0] =	ssyncadd.s32 @!p0 s1  }
0x59: {  	[bflag:$0x3] =	sbarrier.arrive $0xFFFF  }
0x5a: {  	_ =	shalt  }

// kernel: kernel.19.cloned.1.call-start
scs
__scs_entry_jumppad:
0x0: {  	(pc) =	sbr.rel $0x88, $3  }
0x1: {  	(tag) =	ssettag $0x0;
	lr =	simm.s32 $0x1  }
0x2: {  	[smem:$0x3F99] =	sst lr;
	_ =	strace $0xD0000000  }
0x3: {  	_ = 	snop  }
0x4: {  	_ = 	snop  }
0x5: {  	_ = 	snop  }
0x6: {  	_ = 	snop  }
0x7: {  	_ = 	snop  }
__scs_overlays_trampoline_lowered:
0x8: {  	[smem:$0x3FA8] =	sst s0  }
0x9: {  	[smem:$0x3FA9] =	sst s1  }
0xa: {  	[smem:$0x3FAA] =	sst s2  }
0xb: {  	[smem:$0x3FAB] =	sst s3  }
0xc: {  	[smem:$0x3FAC] =	sst s4  }
0xd: {  	[smem:$0x3FAD] =	sst s5  }
0xe: {  	[smem:$0x3FAE] =	sst s6  }
0xf: {  	[smem:$0x3FAF] =	sst s7  }
0x10: {  	[smem:$0x3FB0] =	sst s8  }
0x11: {  	[smem:$0x3FB1] =	sst s9;
	s0 =	simm.s32 @!p0 $0x0  }
0x12: {  	s1 =	sld [smem:$0x3F97];
	s0 =	simm.s32 @p0 $0x1  }
0x13: {  	[smem:$0x3FB2] =	sst s0;
	s0 =	simm.s32 @!p1 $0x0  }
0x14: {  	s2 =	sld [smem:$0x3F96];
	s0 =	simm.s32 @p1 $0x1  }
0x15: {  	[smem:$0x3FB3] =	sst s0;
	s0 =	simm.s32 @!p2 $0x0  }
0x16: {  	s3 =	sld [smem:$0x3FDB];
	s0 =	simm.s32 @p2 $0x1  }
0x17: {  	s4 =	simm.s32 $0x1BF5;
	[smem:$0x3FB5] =	sst s0  }
0x18: {  	s0 =	sld [smem:$0x3F98];
	_ =	swait.ge [sflag:s4], $0x0  }
0x19: {  	s7 =	sld [smem:$0x3F99]  }
0x1a: {  	s8 =	sadd.s32 $0xFFFFE003, lr  }
0x1b: {  	s9 =	sadd.s32 $0xFFFFFEF7, lr;
	s5 =	simm.s32 $0xFFFFFFFF;
	p2 =	slt.u32 s8, $0xFFFFF086  }
0x1c: {  	p1 =	slt.u32 s9, $0xF7A;
	s5 =	simm.s32 @!p2 $0x0  }
0x1d: {  	s5 =	simm.s32 @p1 $0x1;
	p0 =	seq.s32 s7, s2  }
0x1e: {  	s7 =	smul.u32 @!p0 $0xF7A, s2;
	p2 =	seq.s32 @!p0 s5, $0x0  }
0x1f: {  	s9 =	smul.u32 $0xF7A, s1;
	s8 =	simm.s32 @!p0 $0x1BF5;
	p2 =	por !p2, p0  }
0x20: {  	[sflag:s8] =	ssyncset.s32 @!p0 $0xFFFFF086;
	s6 =	sadd.s32 @!p0 s3, s7;
	s7 =	simm.s32 @!p0 $0x108  }
0x21: {  	s3 =	sadd.s32 s3, s9;
	s6 =	sadd.s32 @!p0 $0x88, s6;
	s7 =	simm.s32 @p2 $0x1082  }
0x22: {  	[simem:s7], [sflag:s8] =	dma.local @!p0 [hbm:s6], $0xF7A  }
0x23: {  	s9 =	sor.u32 $0xD0000000, s2;
	s6 =	simm.s32 $0x108;
	_ =	swait.ge @!p0 [sflag:s8], $0x0  }
0x24: {  	s3 =	sadd.s32 $0x88, s3;
	s6 =	simm.s32 @!p1 $0x1082;
	[sflag:s4] =	ssyncset.s32 $0xFFFFF086  }
0x25: {  	[simem:s6], [sflag:s4] =	dma.local [hbm:s3], $0xF7A  }
0x26: {  	[smem:$0x3F99] =	sst s1;
	(tag) =	ssettag s2;
	_ =	strace s9  }
0x27: {  	s1 =	sld [smem:$0x3FA9]  }
0x28: {  	s2 =	sld [smem:$0x3FAA]  }
0x29: {  	s4 =	sld [smem:$0x3FAC]  }
0x2a: {  	p0 =	seq.s32 s5, $0x0;
	s5 =	sld [smem:$0x3FAD]  }
0x2b: {  	s6 =	sld [smem:$0x3FAE]  }
0x2c: {  	s7 =	sld [smem:$0x3FAF]  }
0x2d: {  	s3 =	simm.s32 $0x108;
	s8 =	sld [smem:$0x3FB0]  }
0x2e: {  	s3 =	simm.s32 @!p0 $0x1082;
	s9 =	sld [smem:$0x3FB1]  }
0x2f: {  	lr =	sadd.s32 s0, s3;
	s0 =	sld [smem:$0x3FA8]  }
0x30: {  	s3 =	sld [smem:$0x3FAB]  }
0x31: {  	[smem:$0x3FB4] =	sst s10  }
0x32: {  	s10 =	sld [smem:$0x3FB2];
	_ =	sdelay $0x3  }
0x33: {  	p0 =	seq.s32 s10, $0x1;
	s10 =	sld [smem:$0x3FB4];
	_ =	sdelay $0x3  }
0x34: {  	[smem:$0x3FB4] =	sst s10  }
0x35: {  	s10 =	sld [smem:$0x3FB3];
	_ =	sdelay $0x3  }
0x36: {  	p1 =	seq.s32 s10, $0x1;
	s10 =	sld [smem:$0x3FB4];
	_ =	sdelay $0x3  }
0x37: {  	[smem:$0x3FB4] =	sst s10  }
0x38: {  	s10 =	sld [smem:$0x3FB5]  }
0x39: {  	_ = 	snop;
	(pc) =	sbr.ind lr, $3  }
0x3a: {  	_ = 	snop  }
0x3b: {  	_ = 	snop  }
0x3c: {  	p2 =	seq.s32 s10, $0x1;
	s10 =	sld [smem:$0x3FB4]  }
0x3d: {  	_ =	shalt  }
0x3e: {  	_ =	shalt  }
0x3f: {  	_ =	shalt  }
0x40: {  	_ =	shalt  }
0x41: {  	_ =	shalt  }
0x42: {  	_ =	shalt  }
0x43: {  	_ =	shalt  }
0x44: {  	_ =	shalt  }
0x45: {  	_ =	shalt  }
0x46: {  	_ =	shalt  }
0x47: {  	_ =	shalt  }
0x48: {  	_ =	shalt  }
0x49: {  	_ =	shalt  }
0x4a: {  	_ =	shalt  }
0x4b: {  	_ =	shalt  }
0x4c: {  	_ =	shalt  }
0x4d: {  	_ =	shalt  }
0x4e: {  	_ =	shalt  }
0x4f: {  	_ =	shalt  }
0x50: {  	_ =	shalt  }
0x51: {  	_ =	shalt  }
0x52: {  	_ =	shalt  }
0x53: {  	_ =	shalt  }
0x54: {  	_ =	shalt  }
0x55: {  	_ =	shalt  }
0x56: {  	_ =	shalt  }
0x57: {  	_ =	shalt  }
0x58: {  	_ =	shalt  }
0x59: {  	_ =	shalt  }
0x5a: {  	_ =	shalt  }
0x5b: {  	_ =	shalt  }
0x5c: {  	_ =	shalt  }
0x5d: {  	_ =	shalt  }
0x5e: {  	_ =	shalt  }
0x5f: {  	_ =	shalt  }
0x60: {  	_ =	shalt  }
0x61: {  	_ =	shalt  }
0x62: {  	_ =	shalt  }
0x63: {  	_ =	shalt  }
0x64: {  	_ =	shalt  }
0x65: {  	_ =	shalt  }
0x66: {  	_ =	shalt  }
0x67: {  	_ =	shalt  }
0x68: {  	_ =	shalt  }
0x69: {  	_ =	shalt  }
0x6a: {  	_ =	shalt  }
0x6b: {  	_ =	shalt  }
0x6c: {  	_ =	shalt  }
0x6d: {  	_ =	shalt  }
0x6e: {  	_ =	shalt  }
0x6f: {  	_ =	shalt  }
0x70: {  	_ =	shalt  }
0x71: {  	_ =	shalt  }
0x72: {  	_ =	shalt  }
0x73: {  	_ =	shalt  }
0x74: {  	_ =	shalt  }
0x75: {  	_ =	shalt  }
0x76: {  	_ =	shalt  }
0x77: {  	_ =	shalt  }
0x78: {  	_ =	shalt  }
0x79: {  	_ =	shalt  }
0x7a: {  	_ =	shalt  }
0x7b: {  	_ =	shalt  }
0x7c: {  	_ =	shalt  }
0x7d: {  	_ =	shalt  }
0x7e: {  	_ =	shalt  }
0x7f: {  	_ =	shalt  }
0x80: {  	_ =	shalt  }
0x81: {  	_ =	shalt  }
0x82: {  	_ =	shalt  }
0x83: {  	_ =	shalt  }
0x84: {  	_ =	shalt  }
0x85: {  	_ =	shalt  }
0x86: {  	_ =	shalt  }
0x87: {  	_ =	shalt  }
.Lfunc_end0:
.L_simem_size_0:
called_computation.3_lowered:
.L_overlay_start_0:
0x88: {  	s2 =	sld [smem:$0x3FD9]  }
0x89: {  	s3 =	sld [smem:$0x3FFE];
	_ =	sdelay $0x1  }
0x8a: {  	s1 =	srdreg.scid  }
0x8b: {  	s0 =	sand.u32 $0x1, s1  }
0x8c: {  	s17 =	sshll.u32 s0, $0xA;
	s2 =	sadd.s32 s3, s2  }
0x8d: {  	s2 =	sadd.s32 s2, s17  }
0x8e: {  	[smem:$0x3FC0] =	sst s2  }
0x8f: {  	_ = 	snop  }
0x90: {  	s2 =	sld [smem:$0x3FD0];
	(tm) =	ssettm $0x1  }
0x91: {  	s18 =	sld [smem:$0x3FFB];
	_ =	sdelay $0x3  }
0x92: {  	_ =	strace s18  }
0x93: {  	s3 =	sld [smem:$0x3FFC];
	_ =	sdelay $0x3  }
0x94: {  	_ =	strace s3  }
0x95: {  	s3 =	sld [smem:$0x3FFD];
	_ =	sdelay $0x3  }
0x96: {  	_ =	strace s3  }
0x97: {  	_ =	strace $0x8FFFFFFF  }
0x98: {  	s19 =	sld [smem:$0x3FDB];
	_ =	sdelay $0x1  }
0x99: {  	s4 =	simm.s32 $_scs_section_size  }
0x9a: {  	s5 =	simm.s32 $_size__tile_overlayer_lowered;
	s6 =	simm.s32 $_tile_overlayer_lowered  }
0x9b: {  	s22 =	simm.s32 $0x1BFF;
	s21 =	sshll.u32 s6, $0x1;
	s3 =	sadd.s32 s4, s19  }
0x9c: {  	s7 =	simm.s32 $0x0;
	s20 =	sshll.u32 s5, $0x1;
	s5 =	sadd.s32 s21, s3  }
0x9d: {  	[timem:s7], [sflag:s22] =	dma.local [hbm:s5], s20  }
0x9e: {  	_ =	swait.ge [sflag:s22], s20  }
0x9f: {  	s4 =	ssub.s32 $0x0, s20;
	[sflag:s22] =	ssyncset.done $0x0  }
0xa0: {  	[sflag:s22] =	ssyncadd.s32 s4;
	_ =	sdelay $0x1  }
0xa1: {  	s23 =	simm.s32 $0x1B8B  }
0xa2: {  	_ =	swait.ge [sflag:s23], $0x1  }
0xa3: {  	[sflag:s23] =	ssyncset.done $0x0  }
0xa4: {  	s25 =	simm.s32 $0x1B8E;
	s24 =	sld [smem:$0x3FFE];
	[sflag:s23] =	ssyncadd.s32 $0xFFFFFFFF  }
0xa5: {  	s26 =	simm.s32 $execute0_lowered;
	[smem:$0x3FD2] =	sst s25  }
0xa6: {  	s5 =	sshll.u32 s26, $0x1;
	_ =	strace $0x8000004F;
	[dreg:$0x1] =	wrdreg $0xFFFFFFFF  }
0xa7: {  	s28 =	simm.s32 $_size_execute0_lowered;
	s3 =	sadd.s32 s3, s5;
	[dreg:$0x0] =	wrdreg $0x0  }
0xa8: {  	s5 =	sshll.u32 s28, $0x1;
	[dreg:$0x2] =	wrdreg s3  }
0xa9: {  	[dreg:$0x3] =	wrdreg s5  }
0xaa: {  	[dreg:$0x4] =	wrdreg $0xC0  }
0xab: {  	_ =	task [dreg:s7], $0x5FFFF  }
0xac: {  	[dreg:$0x1] =	wrdreg $0xFFFFFFFF  }
0xad: {  	[dreg:$0x0] =	wrdreg $0x60  }
0xae: {  	[dreg:$0x2] =	wrdreg s24  }
0xaf: {  	[dreg:$0x3] =	wrdreg s2  }
0xb0: {  	[dreg:$0x4] =	wrdreg $0x0  }
0xb1: {  	[dreg:$0x5] =	wrdreg $0x9  }
0xb2: {  	_ =	task.clear_ibuf [dreg:s7], $0x6FFFF;
	_ =	strace $0x9000004F  }
0xb3: {  	s29 =	simm.s32 $0x9;
	_ =	strace $0x80000051  }
0xb4: {  	_ =	swait.ge [sflag:s29], $0x1  }
0xb5: {  	[sflag:s29] =	ssyncadd.s32 $0xFFFFFFFF  }
0xb6: {  	_ =	strace $0x90000051  }
0xb7: {  	_ =	sfence  }
0xb8: {  	s30 =	sld [smem:$0x0];
	_ =	sdelay $0x2  }
0xb9: {  	s31 =	sshll.u32 s1, $0xD;
	s1 =	sshrl.u32 s1, $0x2  }
0xba: {  	s3 =	sand.u32 $0x4000, s31;
	s1 =	sadd.s32 s1, s30  }
0xbb: {  	s0 =	sor.u32 s3, s0;
	s1 =	sshll.u32 s1, $0x11  }
0xbc: {  	s0 =	sor.u32 s1, s0  }
0xbd: {  	s0 =	sadd.s32 $0x8F2B, s0  }
0xbe: {  	[sflag:s0] =	ssyncadd.remote.s32 $0x1  }
0xbf: {  	_ =	sfence.sel $0xFFFF  }
0xc0: {  	[dreg:$0x0] =	wrdreg $0xFFFFFFFF;
	(pc) =	sbr.abs _section_cstart, $3  }
0xc1: {  	[dreg:$0x1] =	wrdreg $0xFFFFFFFF  }
0xc2: {  	_ =	task.clear_ibuf [dreg:s7], $0x2FFFF;
	_ =	strace $0x9FFFFFFF  }
0xc3: {  	(tm) =	ssettm $0x7FFFFFFF  }
tec
execute0_lowered:
.L_overlay_start_1:
0x0: {  	(tag) =	ssettag $0x1  }
0x1: {  	s6 =	rddreg [dreg:$0x0]  }
0x2: {  	s9 =	rddreg [dreg:$0x1];
	s0 =	srdreg.scid  }
0x3: {  	s1 =	rddreg [dreg:$0x2];
	s2 =	stileid.u32  }
0x4: {  	s3 =	simm.s32 $0x0;
	s15 =	simm.s32 $0x80;
	s8 =	smul.u32 $0x14000, s2  }
0x5: {  	s16 =	simm.s32 $0x14000;
	s17 =	simm.s32 $0x0;
	s13 =	smul.u32 $0x50000, s2  }
0x6: {  	s5 =	sand.u32 $0x1, s0;
	s0 =	rddreg [dreg:$0x3];
	s30 =	smul.u32 $0x500, s2  }
0x7: {  	[smem:$0x7FF] =	sst s3;
	s4 =	sadd.s32 $0x10800, s6;
	s10 =	smul.u32 $0x5000, s5  }
0x8: {  	s29 =	sshll.u32 s2, $0x6;
	s7 =	smul.u32 $0x140000, s5;
	s26 =	ssub.s32 $0x2, s5  }
0x9: {  	_ =	strace $0x80000050;
	s5 =	sadd.s32 $0xE000, s6;
	s12 =	sshrl.u32 s26, $0x1  }
0xa: {  	s28 =	sshrl.u32 s13, $0x2;
	s13 =	simm.s32 $0x18000;
	s11 =	sadd.s32 s10, s6  }
0xb: {  	s7 =	sadd.s32 s8, s7;
	s8 =	ssub.s32 s26, s12;
	s14 =	sadd.s32 s28, s1  }
0xc: {  	s9 =	sadd.s32 s10, s9;
	s12 =	simm.s32 $0x1;
	s7 =	sshrl.u32 s7, $0x3  }
0xd: {  	s8 =	smax.u32 s8, $0x1;
	s31 =	sadd.s32 s30, s11;
	s9 =	sadd.s32 s30, s9  }
0xe: {  	s11 =	sshrl.u32 s14, $0x3;
	s14 =	simm.s32 $0x18080;
	s7 =	sadd.s32 s7, s6  }
0xf: {  	s6 =	sor.u32 $0x1C01, s29;
	s10 =	sadd.s32 $0x3000, s31;
	s7 =	sadd.s32 $0x38800, s7  }
.LBB2_1:
0x10: {  	[spmem:s11], [sflag:s6] =	dma.local [hbm:s5], $0x2800  }
0x11: {  	_ =	swait.ge [sflag:s12], $0x2800  }
0x12: {  	[sflag:s12] =	ssyncset.done $0x0  }
0x13: {  	[sflag:s12] =	ssyncadd.s32 $0xFFFFD800  }
0x14: {  	s18 =	sadd.s32 $0x0, s10;
	[bflag:$0x0] =	sbarrier.arrive $0xFFFF  }
0x15: {  	[tilespmem:s13], [sflag:$0x1] =	stream.linear.gather [hbm4b:s18+s3], $0x80, $0x38;
	[tilespmem:$0x18100] =	vst v63  }
0x16: {  	_ =	swait.ge [sflag:s12], $0x80  }
0x17: {  	[sflag:s12] =	ssyncset.done $0x0  }
0x18: {  	s31 =	sadd.s32 $0x0, s9;
	[sflag:s12] =	ssyncadd.s32 $0xFFFFFF80  }
0x19: {  	[tilespmem:s14], [sflag:$0x1] =	stream.linear.gather [hbm4b:s31+s3], $0x80, $0x38;
	[tilespmem:$0x18100] =	vst v63  }
0x1a: {  	_ =	swait.ge [sflag:s12], $0x80  }
0x1b: {  	[sflag:s12] =	ssyncset.done $0x0  }
0x1c: {  	[sflag:s12] =	ssyncadd.s32 $0xFFFFFF80  }
0x1d: {  	[tilespmem:s16], [sflag:$0x1] =	stream.indirect.gather [hbm4b:s4+s15], $0x80, s13, s15, $0xb8;
	[tilespmem:$0x18100] =	vst v63  }
0x1e: {  	_ =	swait.ge [sflag:s12], $0x4000  }
0x1f: {  	[sflag:s12] =	ssyncset.done $0x0  }
0x20: {  	[sflag:s12] =	ssyncadd.s32 $0xFFFFC000  }
0x21: {  	[spmem:s1] =	stream.indirect.scatter.add.f32 [tilespmem:s16], [sflag:$0x1], $0x80, s14, s15, $0xb8;
	[tilespmem:$0x18100] =	vst v63  }
0x22: {  	_ =	swait.ge [sflag:s12], $0x4000  }
0x23: {  	s19 =	simm.s32 $0x20;
	s18 =	simm.s32 $0x10;
	[sflag:s12] =	ssyncset.done $0x0  }
.LBB2_2:
0x24: {  	s20 =	sadd.s32 s18, s10  }
0x25: {  	[sflag:s12] =	ssyncadd.s32 $0xFFFFC000;
	s21 =	smov.u32 s19;
	s22 =	sadd.s32 $0x10, s19  }
0x26: {  	[tilespmem:s13], [sflag:$0x1] =	stream.linear.gather [hbm4b:s20+s3], $0x80, $0x38;
	[tilespmem:$0x18100] =	vst v63  }
0x27: {  	p0 =	sne.s32 s19, $0x4F0;
	_ =	swait.ge [sflag:s12], $0x80  }
0x28: {  	[sflag:s12] =	ssyncset.done $0x0  }
0x29: {  	s19 =	sadd.s32 s18, s9;
	s18 =	smov.u32 s21;
	[sflag:s12] =	ssyncadd.s32 $0xFFFFFF80  }
0x2a: {  	[tilespmem:s14], [sflag:$0x1] =	stream.linear.gather [hbm4b:s19+s3], $0x80, $0x38;
	[tilespmem:$0x18100] =	vst v63  }
0x2b: {  	_ =	swait.ge [sflag:s12], $0x80  }
0x2c: {  	[sflag:s12] =	ssyncset.done $0x0  }
0x2d: {  	[sflag:s12] =	ssyncadd.s32 $0xFFFFFF80  }
0x2e: {  	[tilespmem:s16], [sflag:$0x1] =	stream.indirect.gather [hbm4b:s4+s15], $0x80, s13, s15, $0xb8;
	[tilespmem:$0x18100] =	vst v63  }
0x2f: {  	_ =	swait.ge [sflag:s12], $0x4000  }
.Ltmp0:
0x30: {  	[sflag:s12] =	ssyncset.done $0x0;
	(pc) =	sbr.rel @p0 .LBB2_2-.Ltmp0, $4  }
0x31: {  	[sflag:s12] =	ssyncadd.s32 $0xFFFFC000  }
0x32: {  	[spmem:s1] =	stream.indirect.scatter.add.f32 [tilespmem:s16], [sflag:$0x1], $0x80, s14, s15, $0xb8;
	[tilespmem:$0x18100] =	vst v63  }
0x33: {  	_ =	swait.ge [sflag:s12], $0x4000  }
0x34: {  	s19 =	smov.u32 s22;
	[sflag:s12] =	ssyncset.done $0x0  }
0x35: {  	s19 =	sadd.s32 s18, s10;
	[sflag:s12] =	ssyncadd.s32 $0xFFFFC000  }
0x36: {  	[tilespmem:s13], [sflag:$0x1] =	stream.linear.gather [hbm4b:s19+s3], $0x80, $0x38;
	[tilespmem:$0x18100] =	vst v63  }
0x37: {  	_ =	swait.ge [sflag:s12], $0x80  }
0x38: {  	[sflag:s12] =	ssyncset.done $0x0  }
0x39: {  	s31 =	sadd.s32 s18, s9;
	[sflag:s12] =	ssyncadd.s32 $0xFFFFFF80  }
0x3a: {  	[tilespmem:s14], [sflag:$0x1] =	stream.linear.gather [hbm4b:s31+s3], $0x80, $0x38;
	[tilespmem:$0x18100] =	vst v63  }
0x3b: {  	_ =	swait.ge [sflag:s12], $0x80  }
0x3c: {  	[sflag:s12] =	ssyncset.done $0x0  }
0x3d: {  	[sflag:s12] =	ssyncadd.s32 $0xFFFFFF80  }
0x3e: {  	[tilespmem:s16], [sflag:$0x1] =	stream.indirect.gather [hbm4b:s4+s15], $0x80, s13, s15, $0xb8;
	[tilespmem:$0x18100] =	vst v63  }
0x3f: {  	_ =	swait.ge [sflag:s12], $0x4000  }
0x40: {  	[sflag:s12] =	ssyncset.done $0x0  }
0x41: {  	[sflag:s12] =	ssyncadd.s32 $0xFFFFC000  }
0x42: {  	[spmem:s1] =	stream.indirect.scatter.add.f32 [tilespmem:s16], [sflag:$0x1], $0x80, s14, s15, $0xb8;
	[tilespmem:$0x18100] =	vst v63  }
0x43: {  	_ =	swait.ge [sflag:s12], $0x4000  }
0x44: {  	s17 =	sadd.s32 $0x1, s17;
	[sflag:s12] =	ssyncset.done $0x0  }
0x45: {  	p0 =	sne.s32 s17, s8;
	[sflag:s12] =	ssyncadd.s32 $0xFFFFC000  }
.Ltmp1:
0x46: {  	[bflag:$0x0] =	sbarrier.arrive $0xFFFF;
	(pc) =	sbr.rel @p0 .LBB2_1-.Ltmp1, $4  }
0x47: {  	[hbm:s7], [sflag:s6] =	dma.local [spmem:s11], $0x2800  }
0x48: {  	_ =	swait.ge [sflag:s12], $0x2800  }
0x49: {  	[sflag:s12] =	ssyncset.done $0x0  }
0x4a: {  	[sflag:s12] =	ssyncadd.s32 $0xFFFFD800  }
0x4b: {  	_ =	sfence.sel $0x180000  }
0x4c: {  	[bflag:$0x0] =	sbarrier.arrive $0xFFFF  }
0x4d: {  	p0 =	sne.s32 s2, $0x0;
	_ =	strace $0x90000050  }
0x4e: {  	s0 =	sadd.s32 @!p0 $0x100000, s0;
	[bflag:$0x2] =	sbarrier.arrive $0xFFFF  }
0x4f: {  	[sflag:s0] =	ssyncadd.tile.s32 @!p0 $0x1;
	_ =	shalt  }
.Lfunc_end2:
_tile_overlayer_lowered:
.L_overlay_start_2:
0x50: {  	(tag) =	ssettag $0x2  }
0x51: {  	s0 =	rddreg [dreg:$0x0];
	s2 =	stileid.u32  }
0x52: {  	s1 =	rddreg [dreg:$0x1];
	p0 =	sne.s32 s2, $0x0  }
0x53: {  	s3 =	rddreg [dreg:$0x2];
	[bflag:$0x3] =	sbarrier.arrive $0xFFFF;
	s2 =	simm.s32 @!p0 $0x1C01  }
0x54: {  	[timem:s3], [sflag:s2] =	dma.local @!p0 [hbm:s0], s1  }
0x55: {  	s0 =	simm.s32 @!p0 $0x1  }
0x56: {  	_ =	swait.ge @!p0 [sflag:s0], s1  }
0x57: {  	s1 =	ssub.s32 @!p0 $0x0, s1;
	[sflag:s0] =	ssyncset.done @!p0 $0x0  }
0x58: {  	[sflag:s0] =	ssyncadd.s32 @!p0 s1  }
0x59: {  	[bflag:$0x3] =	sbarrier.arrive $0xFFFF  }
0x5a: {  	_ =	shalt  }

</sc_bundles>
